<compile_context>
chip_gen: v7x
topology: tpu7x:2x2x1
jax: 0.10.2.dev20260603
libtpu: 0.0.44.dev20260713+nightly
codegen_flags: <defaults>
</compile_context>

<pallas_src>
import functools

import jax
import jax.numpy as jnp
from jax import lax
from jax.experimental import pallas as pl
from jax.experimental.pallas import tpu as pltpu
from jax.experimental.pallas import tpu_sc as plsc

NC = 2
NS = 16
NW = NC * NS
LANES = 16
NBUF = 2


def _make_kernel(B, D, PW, CH):
    n_chunks = PW // CH
    vecs_per_row = D // LANES
    row_unroll = 4
    mesh = plsc.VectorSubcoreMesh(
        core_axis_name="c", subcore_axis_name="s",
        num_cores=NC, num_subcores=NS)

    buf = pltpu.VMEM((CH, D), jnp.float32)
    sem = pltpu.SemaphoreType.DMA

    @functools.partial(
        pl.kernel,
        out_type=jax.ShapeDtypeStruct((B, D), jnp.float32),
        mesh=mesh,
        scratch_types=(
            [pltpu.VMEM((PW,), jnp.int32)]
            + [buf] * (3 * NBUF) + [sem] * (3 * NBUF)
        ),
    )
    def body(mem_hbm, nf_hbm, idx_hbm, out_hbm, idx_v, *rest):
        bufs_a = rest[0:NBUF]
        bufs_b = rest[NBUF:2 * NBUF]
        bufs_o = rest[2 * NBUF:3 * NBUF]
        sems_a = rest[3 * NBUF:4 * NBUF]
        sems_b = rest[4 * NBUF:5 * NBUF]
        sems_w = rest[5 * NBUF:6 * NBUF]

        wid = lax.axis_index("s") * NC + lax.axis_index("c")
        base = jnp.minimum(wid * PW, B - PW)
        pltpu.sync_copy(idx_hbm.at[pl.ds(base, PW)], idx_v)

        def start_gather(i, slot):
            ia = idx_v.at[pl.ds(i * CH, CH)]
            pltpu.async_copy(nf_hbm.at[ia], bufs_a[slot], sems_a[slot])
            pltpu.async_copy(mem_hbm.at[ia], bufs_b[slot], sems_b[slot])

        for slot in range(NBUF):
            start_gather(slot, slot)

        def step(g, carry):
            for slot in range(NBUF):
                i = g * NBUF + slot
                ia = idx_v.at[pl.ds(i * CH, CH)]
                pltpu.make_async_copy(
                    nf_hbm.at[ia], bufs_a[slot], sems_a[slot]).wait()
                pltpu.make_async_copy(
                    mem_hbm.at[ia], bufs_b[slot], sems_b[slot]).wait()

                @pl.when(i >= NBUF)
                def _():
                    pltpu.make_async_copy(
                        bufs_o[slot],
                        out_hbm.at[pl.ds(base + (i - NBUF) * CH, CH)],
                        sems_w[slot]).wait()

                def add_rows(r4, c2):
                    for u in range(row_unroll):
                        r = r4 * row_unroll + u
                        for v in range(vecs_per_row):
                            sl = pl.ds(v * LANES, LANES)
                            bufs_o[slot][r, sl] = (
                                bufs_a[slot][r, sl] + bufs_b[slot][r, sl])
                    return c2

                lax.fori_loop(0, CH // row_unroll, add_rows, 0)

                @pl.when(i + NBUF < n_chunks)
                def _():
                    start_gather(i + NBUF, slot)

                pltpu.async_copy(
                    bufs_o[slot],
                    out_hbm.at[pl.ds(base + i * CH, CH)],
                    sems_w[slot])
            return carry

        lax.fori_loop(0, n_chunks // NBUF, step, 0)

        for slot in range(NBUF):
            i = n_chunks - NBUF + slot
            pltpu.make_async_copy(
                bufs_o[slot],
                out_hbm.at[pl.ds(base + i * CH, CH)],
                sems_w[slot]).wait()

    return body


def kernel(memory, source_nodes, timestamps, n_layers, node_features):
    del timestamps, n_layers
    B = source_nodes.shape[0]
    D = memory.shape[1]
    CH = 112
    PW = 3136
    assert NW * PW >= B and PW % CH == 0 and (PW // CH) % NBUF == 0
    assert PW % 8 == 0 and (B - PW) % 8 == 0
    k = _make_kernel(B, D, PW, CH)
    return k(memory, node_features, source_nodes)

# --- scband reference (transcript-rebuilt; emitter-appended) ---
"""Pipeline reference for scband-graph-embedding-51934744543706 (READ-ONLY COPY).

The authoritative reference and input builder live on the scoring server;
editing this copy changes nothing except your own understanding.
"""

import jax, jax.numpy as jnp
import numpy as np

N_NODES = 100000
D_FEAT = 128
BATCH = 100000


def setup_inputs(seed: int = 0) -> dict:
    key = jax.random.key(seed)
    k1, k2, k3, k4 = jax.random.split(key, 4)
    memory = jax.random.normal(k1, (N_NODES, D_FEAT), dtype=jnp.float32)
    node_features = jax.random.normal(k2, (N_NODES, D_FEAT), dtype=jnp.float32)
    source_nodes = jax.random.randint(k3, (BATCH,), 0, N_NODES, dtype=jnp.int32)
    timestamps = jax.random.uniform(k4, (BATCH,), dtype=jnp.float32)
    return {
        "memory": memory,
        "source_nodes": source_nodes,
        "timestamps": timestamps,
        "n_layers": 0,
        "node_features": node_features,
    }


def reference(memory, source_nodes, timestamps, n_layers, node_features):
    # GraphEmbedding.compute_embedding, base case n_layers == 0 (recursion
    # terminus; aggregate() is abstract in this class).
    # source_node_features = self.node_features[source_nodes_torch, :]
    src_feat = jnp.take(node_features, source_nodes, axis=0)
    # if self.use_memory: source_node_features = memory[source_nodes, :] + source_node_features
    src_feat = jnp.take(memory, source_nodes, axis=0) + src_feat
    # n_layers == 0 -> return source_node_features
    return src_feat

if __name__ == "__main__":
    import jax
    _d = setup_inputs()
    print(jax.jit(kernel)(*tuple(_d.values())))

</pallas_src>

<mosaic_0001>
#map = affine_map<(d0, d1) -> (0, 0)>
#map1 = affine_map<(d0, d1) -> (0)>
module attributes {stable_mosaic.version = 14 : i64} {
  func.func @body(%arg0: i32, %arg1: i32, %arg2: memref<100000x128xf32, #tpu.memory_space<hbm>>, %arg3: memref<100000x128xf32, #tpu.memory_space<hbm>>, %arg4: memref<100000xi32, #tpu.memory_space<hbm>>, %arg5: memref<100000x128xf32, #tpu.memory_space<hbm>>, %arg6: memref<3136xi32, #tpu.memory_space<vmem>>, %arg7: memref<112x128xf32, #tpu.memory_space<vmem>>, %arg8: memref<112x128xf32, #tpu.memory_space<vmem>>, %arg9: memref<112x128xf32, #tpu.memory_space<vmem>>, %arg10: memref<112x128xf32, #tpu.memory_space<vmem>>, %arg11: memref<112x128xf32, #tpu.memory_space<vmem>>, %arg12: memref<112x128xf32, #tpu.memory_space<vmem>>, %arg13: memref<!tpu.dma_semaphore, #tpu.memory_space<semaphore_mem>>, %arg14: memref<!tpu.dma_semaphore, #tpu.memory_space<semaphore_mem>>, %arg15: memref<!tpu.dma_semaphore, #tpu.memory_space<semaphore_mem>>, %arg16: memref<!tpu.dma_semaphore, #tpu.memory_space<semaphore_mem>>, %arg17: memref<!tpu.dma_semaphore, #tpu.memory_space<semaphore_mem>>, %arg18: memref<!tpu.dma_semaphore, #tpu.memory_space<semaphore_mem>>) attributes {dimension_semantics = [#tpu.dimension_semantics<core_parallel>, #tpu.dimension_semantics<subcore_parallel>], iteration_bounds = array<i64: 2, 16>, scalar_prefetch = 0 : i64, scratch_operands = 13 : i64, tpu.core_type = #tpu.core_type<sc_vector_subcore>, window_params = [{transform_indices = #map}, {transform_indices = #map}, {transform_indices = #map1}, {transform_indices = #map}]} {
    %mul3A = arith.constant 2 : i32
    %mul3A_0 = arith.muli %arg1, %mul3A : i32
    %add3A = arith.addi %mul3A_0, %arg0 : i32
    %mul3A_1 = arith.constant 3136 : i32
    %mul3A_2 = arith.muli %add3A, %mul3A_1 : i32
    %min3A = arith.constant 96864 : i32
    %min3A_3 = arith.minsi %mul3A_2, %min3A : i32
    "tpu.region"() ({
      %run_scoped3A = tpu.sem_alloc : memref<!tpu.dma_semaphore, #tpu.memory_space<semaphore_mem>>
      %dma_start3A_39 = tpu.memref_slice %arg4[%min3A_3] : memref<100000xi32, #tpu.memory_space<hbm>> -> memref<3136xi32, #tpu.memory_space<hbm>>
      %dma_start3A_40 = tpu.memref_slice %arg4[%min3A_3] : memref<100000xi32, #tpu.memory_space<hbm>> -> memref<3136xi32, #tpu.memory_space<hbm>>
      tpu.enqueue_dma source(%dma_start3A_40 : memref<3136xi32, #tpu.memory_space<hbm>>) target(%arg6 : memref<3136xi32, #tpu.memory_space<vmem>>) target_semaphore(%run_scoped3A : memref<!tpu.dma_semaphore, #tpu.memory_space<semaphore_mem>>)
      %dma_wait3A_41 = tpu.memref_slice %arg4[%min3A_3] : memref<100000xi32, #tpu.memory_space<hbm>> -> memref<3136xi32, #tpu.memory_space<hbm>>
      %dma_wait3A_42 = tpu.memref_slice %arg4[%min3A_3] : memref<100000xi32, #tpu.memory_space<hbm>> -> memref<3136xi32, #tpu.memory_space<hbm>>
      tpu.wait_dma2 semaphore(%run_scoped3A : memref<!tpu.dma_semaphore, #tpu.memory_space<semaphore_mem>>) src(%dma_wait3A_42 : memref<3136xi32, #tpu.memory_space<hbm>>) dst(%arg6 : memref<3136xi32, #tpu.memory_space<vmem>>)
      tpu.yield
    }) : () -> ()
    %dma_start3A = arith.constant 0 : i32
    %dma_start3A_4 = tpu.memref_slice %arg6[%dma_start3A] : memref<3136xi32, #tpu.memory_space<vmem>> -> memref<112xi32, #tpu.memory_space<vmem>>
    %dma_start3A_5 = arith.constant 0 : i32
    %dma_start3A_6 = arith.constant 0 : i32
    %dma_start3A_7 = tpu.memref_slice %arg3[%dma_start3A_5, %dma_start3A_6] : memref<100000x128xf32, #tpu.memory_space<hbm>> -> memref<100000x128xf32, #tpu.memory_space<hbm>>
    tpu.enqueue_indirect_dma source(%dma_start3A_7 : memref<100000x128xf32, #tpu.memory_space<hbm>>) target(%arg7 : memref<112x128xf32, #tpu.memory_space<vmem>>) offsets(%dma_start3A_4 : memref<112xi32, #tpu.memory_space<vmem>>) semaphore(%arg13 : memref<!tpu.dma_semaphore, #tpu.memory_space<semaphore_mem>>)
    %dma_start3A_8 = arith.constant 0 : i32
    %dma_start3A_9 = tpu.memref_slice %arg6[%dma_start3A_8] : memref<3136xi32, #tpu.memory_space<vmem>> -> memref<112xi32, #tpu.memory_space<vmem>>
    %dma_start3A_10 = arith.constant 0 : i32
    %dma_start3A_11 = arith.constant 0 : i32
    %dma_start3A_12 = tpu.memref_slice %arg2[%dma_start3A_10, %dma_start3A_11] : memref<100000x128xf32, #tpu.memory_space<hbm>> -> memref<100000x128xf32, #tpu.memory_space<hbm>>
    tpu.enqueue_indirect_dma source(%dma_start3A_12 : memref<100000x128xf32, #tpu.memory_space<hbm>>) target(%arg9 : memref<112x128xf32, #tpu.memory_space<vmem>>) offsets(%dma_start3A_9 : memref<112xi32, #tpu.memory_space<vmem>>) semaphore(%arg15 : memref<!tpu.dma_semaphore, #tpu.memory_space<semaphore_mem>>)
    %dma_start3A_13 = arith.constant 112 : i32
    %dma_start3A_14 = tpu.memref_slice %arg6[%dma_start3A_13] : memref<3136xi32, #tpu.memory_space<vmem>> -> memref<112xi32, #tpu.memory_space<vmem>>
    %dma_start3A_15 = arith.constant 0 : i32
    %dma_start3A_16 = arith.constant 0 : i32
    %dma_start3A_17 = tpu.memref_slice %arg3[%dma_start3A_15, %dma_start3A_16] : memref<100000x128xf32, #tpu.memory_space<hbm>> -> memref<100000x128xf32, #tpu.memory_space<hbm>>
    tpu.enqueue_indirect_dma source(%dma_start3A_17 : memref<100000x128xf32, #tpu.memory_space<hbm>>) target(%arg8 : memref<112x128xf32, #tpu.memory_space<vmem>>) offsets(%dma_start3A_14 : memref<112xi32, #tpu.memory_space<vmem>>) semaphore(%arg14 : memref<!tpu.dma_semaphore, #tpu.memory_space<semaphore_mem>>)
    %dma_start3A_18 = arith.constant 112 : i32
    %dma_start3A_19 = tpu.memref_slice %arg6[%dma_start3A_18] : memref<3136xi32, #tpu.memory_space<vmem>> -> memref<112xi32, #tpu.memory_space<vmem>>
    %dma_start3A_20 = arith.constant 0 : i32
    %dma_start3A_21 = arith.constant 0 : i32
    %dma_start3A_22 = tpu.memref_slice %arg2[%dma_start3A_20, %dma_start3A_21] : memref<100000x128xf32, #tpu.memory_space<hbm>> -> memref<100000x128xf32, #tpu.memory_space<hbm>>
    tpu.enqueue_indirect_dma source(%dma_start3A_22 : memref<100000x128xf32, #tpu.memory_space<hbm>>) target(%arg10 : memref<112x128xf32, #tpu.memory_space<vmem>>) offsets(%dma_start3A_19 : memref<112xi32, #tpu.memory_space<vmem>>) semaphore(%arg16 : memref<!tpu.dma_semaphore, #tpu.memory_space<semaphore_mem>>)
    %scan3A = arith.constant 0 : i32
    %scan3A_23 = arith.constant 0 : i32
    %scan3A_24 = arith.constant 14 : i32
    %scan3A_25 = arith.addi %scan3A_23, %scan3A_24 : i32
    %scan3A_26 = arith.constant 1 : i32
    scf.for %scan3A_39 = %scan3A_23 to %scan3A_25 step %scan3A_26  : i32 {
      %mul3A_40 = arith.constant 2 : i32
      %mul3A_41 = arith.muli %scan3A_39, %mul3A_40 : i32
      %add3A_42 = arith.constant 0 : i32
      %add3A_43 = arith.addi %mul3A_41, %add3A_42 : i32
      %mul3A_44 = arith.constant 112 : i32
      %mul3A_45 = arith.muli %add3A_43, %mul3A_44 : i32
      %dma_wait3A_46 = tpu.memref_slice %arg6[%mul3A_45] : memref<3136xi32, #tpu.memory_space<vmem>> -> memref<112xi32, #tpu.memory_space<vmem>>
      %dma_wait3A_47 = arith.constant 0 : i32
      %dma_wait3A_48 = arith.constant 0 : i32
      %dma_wait3A_49 = tpu.memref_slice %arg3[%dma_wait3A_47, %dma_wait3A_48] : memref<100000x128xf32, #tpu.memory_space<hbm>> -> memref<100000x128xf32, #tpu.memory_space<hbm>>
      tpu.wait_indirect_dma semaphore(%arg13 : memref<!tpu.dma_semaphore, #tpu.memory_space<semaphore_mem>>) src(%dma_wait3A_49 : memref<100000x128xf32, #tpu.memory_space<hbm>>) dst(%arg7 : memref<112x128xf32, #tpu.memory_space<vmem>>)
      %dma_wait3A_50 = tpu.memref_slice %arg6[%mul3A_45] : memref<3136xi32, #tpu.memory_space<vmem>> -> memref<112xi32, #tpu.memory_space<vmem>>
      %dma_wait3A_51 = arith.constant 0 : i32
      %dma_wait3A_52 = arith.constant 0 : i32
      %dma_wait3A_53 = tpu.memref_slice %arg2[%dma_wait3A_51, %dma_wait3A_52] : memref<100000x128xf32, #tpu.memory_space<hbm>> -> memref<100000x128xf32, #tpu.memory_space<hbm>>
      tpu.wait_indirect_dma semaphore(%arg15 : memref<!tpu.dma_semaphore, #tpu.memory_space<semaphore_mem>>) src(%dma_wait3A_53 : memref<100000x128xf32, #tpu.memory_space<hbm>>) dst(%arg9 : memref<112x128xf32, #tpu.memory_space<vmem>>)
      %ge3A = arith.constant 2 : i32
      %ge3A_54 = arith.cmpi sge, %add3A_43, %ge3A : i32
      %convert_element_type3A = arith.extui %ge3A_54 : i1 to i32
      %cond3A = arith.constant 0 : i32
      %cond3A_55 = arith.cmpi ne, %convert_element_type3A, %cond3A : i32
      scf.if %cond3A_55 {
        %sub3A = arith.constant 2 : i32
        %sub3A_114 = arith.subi %add3A_43, %sub3A : i32
        %mul3A_115 = arith.constant 112 : i32
        %mul3A_116 = arith.muli %sub3A_114, %mul3A_115 : i32
        %add3A_117 = arith.addi %min3A_3, %mul3A_116 : i32
        %dma_wait3A_118 = arith.constant 0 : i32
        %dma_wait3A_119 = tpu.memref_slice %arg5[%add3A_117, %dma_wait3A_118] : memref<100000x128xf32, #tpu.memory_space<hbm>> -> memref<112x128xf32, #tpu.memory_space<hbm>>
        %dma_wait3A_120 = arith.constant 0 : i32
        %dma_wait3A_121 = tpu.memref_slice %arg5[%add3A_117, %dma_wait3A_120] : memref<100000x128xf32, #tpu.memory_space<hbm>> -> memref<112x128xf32, #tpu.memory_space<hbm>>
        tpu.wait_dma2 semaphore(%arg17 : memref<!tpu.dma_semaphore, #tpu.memory_space<semaphore_mem>>) src(%arg11 : memref<112x128xf32, #tpu.memory_space<vmem>>) dst(%dma_wait3A_121 : memref<112x128xf32, #tpu.memory_space<hbm>>)
      } else {
      }
      %scan3A_56 = arith.constant 0 : i32
      %scan3A_57 = arith.constant 0 : i32
      %scan3A_58 = arith.constant 28 : i32
      %scan3A_59 = arith.addi %scan3A_57, %scan3A_58 : i32
      %scan3A_60 = arith.constant 1 : i32
      scf.for %scan3A_114 = %scan3A_57 to %scan3A_59 step %scan3A_60  : i32 {
        %mul3A_115 = arith.constant 4 : i32
        %mul3A_116 = arith.muli %scan3A_114, %mul3A_115 : i32
        %add3A_117 = arith.constant 0 : i32
        %add3A_118 = arith.addi %mul3A_116, %add3A_117 : i32
        %get3A = arith.index_cast %add3A_118 : i32 to index
        %get3A_119 = arith.constant 0 : index
        %get3A_120 = tpu.vector_load %arg7[%get3A, %get3A_119] {strides = array<i32>} : memref<112x128xf32, #tpu.memory_space<vmem>>, vector<1x16xf32>,
        %get3A_121 = vector.shape_cast %get3A_120 : vector<1x16xf32> to vector<16xf32>
        %get3A_122 = arith.index_cast %add3A_118 : i32 to index
        %get3A_123 = arith.constant 0 : index
        %get3A_124 = tpu.vector_load %arg9[%get3A_122, %get3A_123] {strides = array<i32>} : memref<112x128xf32, #tpu.memory_space<vmem>>, vector<1x16xf32>,
        %get3A_125 = vector.shape_cast %get3A_124 : vector<1x16xf32> to vector<16xf32>
        %add3A_126 = arith.addf %get3A_121, %get3A_125 : vector<16xf32>
        %swap3A = arith.index_cast %add3A_118 : i32 to index
        %swap3A_127 = arith.constant 0 : index
        %swap3A_128 = tpu.vector_load %arg11[%swap3A, %swap3A_127] {strides = array<i32>} : memref<112x128xf32, #tpu.memory_space<vmem>>, vector<1x16xf32>,
        %swap3A_129 = vector.shape_cast %swap3A_128 : vector<1x16xf32> to vector<16xf32>
        %swap3A_130 = vector.shape_cast %add3A_126 : vector<16xf32> to vector<1x16xf32>
        tpu.vector_store %arg11[%swap3A, %swap3A_127], %swap3A_130 {strides = array<i32>} : memref<112x128xf32, #tpu.memory_space<vmem>>, vector<1x16xf32>,
        %get3A_131 = arith.index_cast %add3A_118 : i32 to index
        %get3A_132 = arith.constant 16 : index
        %get3A_133 = tpu.vector_load %arg7[%get3A_131, %get3A_132] {strides = array<i32>} : memref<112x128xf32, #tpu.memory_space<vmem>>, vector<1x16xf32>,
        %get3A_134 = vector.shape_cast %get3A_133 : vector<1x16xf32> to vector<16xf32>
        %get3A_135 = arith.index_cast %add3A_118 : i32 to index
        %get3A_136 = arith.constant 16 : index
        %get3A_137 = tpu.vector_load %arg9[%get3A_135, %get3A_136] {strides = array<i32>} : memref<112x128xf32, #tpu.memory_space<vmem>>, vector<1x16xf32>,
        %get3A_138 = vector.shape_cast %get3A_137 : vector<1x16xf32> to vector<16xf32>
        %add3A_139 = arith.addf %get3A_134, %get3A_138 : vector<16xf32>
        %swap3A_140 = arith.index_cast %add3A_118 : i32 to index
        %swap3A_141 = arith.constant 16 : index
        %swap3A_142 = tpu.vector_load %arg11[%swap3A_140, %swap3A_141] {strides = array<i32>} : memref<112x128xf32, #tpu.memory_space<vmem>>, vector<1x16xf32>,
        %swap3A_143 = vector.shape_cast %swap3A_142 : vector<1x16xf32> to vector<16xf32>
        %swap3A_144 = vector.shape_cast %add3A_139 : vector<16xf32> to vector<1x16xf32>
        tpu.vector_store %arg11[%swap3A_140, %swap3A_141], %swap3A_144 {strides = array<i32>} : memref<112x128xf32, #tpu.memory_space<vmem>>, vector<1x16xf32>,
        %get3A_145 = arith.index_cast %add3A_118 : i32 to index
        %get3A_146 = arith.constant 32 : index
        %get3A_147 = tpu.vector_load %arg7[%get3A_145, %get3A_146] {strides = array<i32>} : memref<112x128xf32, #tpu.memory_space<vmem>>, vector<1x16xf32>,
        %get3A_148 = vector.shape_cast %get3A_147 : vector<1x16xf32> to vector<16xf32>
        %get3A_149 = arith.index_cast %add3A_118 : i32 to index
        %get3A_150 = arith.constant 32 : index
        %get3A_151 = tpu.vector_load %arg9[%get3A_149, %get3A_150] {strides = array<i32>} : memref<112x128xf32, #tpu.memory_space<vmem>>, vector<1x16xf32>,
        %get3A_152 = vector.shape_cast %get3A_151 : vector<1x16xf32> to vector<16xf32>
        %add3A_153 = arith.addf %get3A_148, %get3A_152 : vector<16xf32>
        %swap3A_154 = arith.index_cast %add3A_118 : i32 to index
        %swap3A_155 = arith.constant 32 : index
        %swap3A_156 = tpu.vector_load %arg11[%swap3A_154, %swap3A_155] {strides = array<i32>} : memref<112x128xf32, #tpu.memory_space<vmem>>, vector<1x16xf32>,
        %swap3A_157 = vector.shape_cast %swap3A_156 : vector<1x16xf32> to vector<16xf32>
        %swap3A_158 = vector.shape_cast %add3A_153 : vector<16xf32> to vector<1x16xf32>
        tpu.vector_store %arg11[%swap3A_154, %swap3A_155], %swap3A_158 {strides = array<i32>} : memref<112x128xf32, #tpu.memory_space<vmem>>, vector<1x16xf32>,
        %get3A_159 = arith.index_cast %add3A_118 : i32 to index
        %get3A_160 = arith.constant 48 : index
        %get3A_161 = tpu.vector_load %arg7[%get3A_159, %get3A_160] {strides = array<i32>} : memref<112x128xf32, #tpu.memory_space<vmem>>, vector<1x16xf32>,
        %get3A_162 = vector.shape_cast %get3A_161 : vector<1x16xf32> to vector<16xf32>
        %get3A_163 = arith.index_cast %add3A_118 : i32 to index
        %get3A_164 = arith.constant 48 : index
        %get3A_165 = tpu.vector_load %arg9[%get3A_163, %get3A_164] {strides = array<i32>} : memref<112x128xf32, #tpu.memory_space<vmem>>, vector<1x16xf32>,
        %get3A_166 = vector.shape_cast %get3A_165 : vector<1x16xf32> to vector<16xf32>
        %add3A_167 = arith.addf %get3A_162, %get3A_166 : vector<16xf32>
        %swap3A_168 = arith.index_cast %add3A_118 : i32 to index
        %swap3A_169 = arith.constant 48 : index
        %swap3A_170 = tpu.vector_load %arg11[%swap3A_168, %swap3A_169] {strides = array<i32>} : memref<112x128xf32, #tpu.memory_space<vmem>>, vector<1x16xf32>,
        %swap3A_171 = vector.shape_cast %swap3A_170 : vector<1x16xf32> to vector<16xf32>
        %swap3A_172 = vector.shape_cast %add3A_167 : vector<16xf32> to vector<1x16xf32>
        tpu.vector_store %arg11[%swap3A_168, %swap3A_169], %swap3A_172 {strides = array<i32>} : memref<112x128xf32, #tpu.memory_space<vmem>>, vector<1x16xf32>,
        %get3A_173 = arith.index_cast %add3A_118 : i32 to index
        %get3A_174 = arith.constant 64 : index
        %get3A_175 = tpu.vector_load %arg7[%get3A_173, %get3A_174] {strides = array<i32>} : memref<112x128xf32, #tpu.memory_space<vmem>>, vector<1x16xf32>,
        %get3A_176 = vector.shape_cast %get3A_175 : vector<1x16xf32> to vector<16xf32>
        %get3A_177 = arith.index_cast %add3A_118 : i32 to index
        %get3A_178 = arith.constant 64 : index
        %get3A_179 = tpu.vector_load %arg9[%get3A_177, %get3A_178] {strides = array<i32>} : memref<112x128xf32, #tpu.memory_space<vmem>>, vector<1x16xf32>,
        %get3A_180 = vector.shape_cast %get3A_179 : vector<1x16xf32> to vector<16xf32>
        %add3A_181 = arith.addf %get3A_176, %get3A_180 : vector<16xf32>
        %swap3A_182 = arith.index_cast %add3A_118 : i32 to index
        %swap3A_183 = arith.constant 64 : index
        %swap3A_184 = tpu.vector_load %arg11[%swap3A_182, %swap3A_183] {strides = array<i32>} : memref<112x128xf32, #tpu.memory_space<vmem>>, vector<1x16xf32>,
        %swap3A_185 = vector.shape_cast %swap3A_184 : vector<1x16xf32> to vector<16xf32>
        %swap3A_186 = vector.shape_cast %add3A_181 : vector<16xf32> to vector<1x16xf32>
        tpu.vector_store %arg11[%swap3A_182, %swap3A_183], %swap3A_186 {strides = array<i32>} : memref<112x128xf32, #tpu.memory_space<vmem>>, vector<1x16xf32>,
        %get3A_187 = arith.index_cast %add3A_118 : i32 to index
        %get3A_188 = arith.constant 80 : index
        %get3A_189 = tpu.vector_load %arg7[%get3A_187, %get3A_188] {strides = array<i32>} : memref<112x128xf32, #tpu.memory_space<vmem>>, vector<1x16xf32>,
        %get3A_190 = vector.shape_cast %get3A_189 : vector<1x16xf32> to vector<16xf32>
        %get3A_191 = arith.index_cast %add3A_118 : i32 to index
        %get3A_192 = arith.constant 80 : index
        %get3A_193 = tpu.vector_load %arg9[%get3A_191, %get3A_192] {strides = array<i32>} : memref<112x128xf32, #tpu.memory_space<vmem>>, vector<1x16xf32>,
        %get3A_194 = vector.shape_cast %get3A_193 : vector<1x16xf32> to vector<16xf32>
        %add3A_195 = arith.addf %get3A_190, %get3A_194 : vector<16xf32>
        %swap3A_196 = arith.index_cast %add3A_118 : i32 to index
        %swap3A_197 = arith.constant 80 : index
        %swap3A_198 = tpu.vector_load %arg11[%swap3A_196, %swap3A_197] {strides = array<i32>} : memref<112x128xf32, #tpu.memory_space<vmem>>, vector<1x16xf32>,
        %swap3A_199 = vector.shape_cast %swap3A_198 : vector<1x16xf32> to vector<16xf32>
        %swap3A_200 = vector.shape_cast %add3A_195 : vector<16xf32> to vector<1x16xf32>
        tpu.vector_store %arg11[%swap3A_196, %swap3A_197], %swap3A_200 {strides = array<i32>} : memref<112x128xf32, #tpu.memory_space<vmem>>, vector<1x16xf32>,
        %get3A_201 = arith.index_cast %add3A_118 : i32 to index
        %get3A_202 = arith.constant 96 : index
        %get3A_203 = tpu.vector_load %arg7[%get3A_201, %get3A_202] {strides = array<i32>} : memref<112x128xf32, #tpu.memory_space<vmem>>, vector<1x16xf32>,
        %get3A_204 = vector.shape_cast %get3A_203 : vector<1x16xf32> to vector<16xf32>
        %get3A_205 = arith.index_cast %add3A_118 : i32 to index
        %get3A_206 = arith.constant 96 : index
        %get3A_207 = tpu.vector_load %arg9[%get3A_205, %get3A_206] {strides = array<i32>} : memref<112x128xf32, #tpu.memory_space<vmem>>, vector<1x16xf32>,
        %get3A_208 = vector.shape_cast %get3A_207 : vector<1x16xf32> to vector<16xf32>
        %add3A_209 = arith.addf %get3A_204, %get3A_208 : vector<16xf32>
        %swap3A_210 = arith.index_cast %add3A_118 : i32 to index
        %swap3A_211 = arith.constant 96 : index
        %swap3A_212 = tpu.vector_load %arg11[%swap3A_210, %swap3A_211] {strides = array<i32>} : memref<112x128xf32, #tpu.memory_space<vmem>>, vector<1x16xf32>,
        %swap3A_213 = vector.shape_cast %swap3A_212 : vector<1x16xf32> to vector<16xf32>
        %swap3A_214 = vector.shape_cast %add3A_209 : vector<16xf32> to vector<1x16xf32>
        tpu.vector_store %arg11[%swap3A_210, %swap3A_211], %swap3A_214 {strides = array<i32>} : memref<112x128xf32, #tpu.memory_space<vmem>>, vector<1x16xf32>,
        %get3A_215 = arith.index_cast %add3A_118 : i32 to index
        %get3A_216 = arith.constant 112 : index
        %get3A_217 = tpu.vector_load %arg7[%get3A_215, %get3A_216] {strides = array<i32>} : memref<112x128xf32, #tpu.memory_space<vmem>>, vector<1x16xf32>,
        %get3A_218 = vector.shape_cast %get3A_217 : vector<1x16xf32> to vector<16xf32>
        %get3A_219 = arith.index_cast %add3A_118 : i32 to index
        %get3A_220 = arith.constant 112 : index
        %get3A_221 = tpu.vector_load %arg9[%get3A_219, %get3A_220] {strides = array<i32>} : memref<112x128xf32, #tpu.memory_space<vmem>>, vector<1x16xf32>,
        %get3A_222 = vector.shape_cast %get3A_221 : vector<1x16xf32> to vector<16xf32>
        %add3A_223 = arith.addf %get3A_218, %get3A_222 : vector<16xf32>
        %swap3A_224 = arith.index_cast %add3A_118 : i32 to index
        %swap3A_225 = arith.constant 112 : index
        %swap3A_226 = tpu.vector_load %arg11[%swap3A_224, %swap3A_225] {strides = array<i32>} : memref<112x128xf32, #tpu.memory_space<vmem>>, vector<1x16xf32>,
        %swap3A_227 = vector.shape_cast %swap3A_226 : vector<1x16xf32> to vector<16xf32>
        %swap3A_228 = vector.shape_cast %add3A_223 : vector<16xf32> to vector<1x16xf32>
        tpu.vector_store %arg11[%swap3A_224, %swap3A_225], %swap3A_228 {strides = array<i32>} : memref<112x128xf32, #tpu.memory_space<vmem>>, vector<1x16xf32>,
        %mul3A_229 = arith.constant 4 : i32
        %mul3A_230 = arith.muli %scan3A_114, %mul3A_229 : i32
        %add3A_231 = arith.constant 1 : i32
        %add3A_232 = arith.addi %mul3A_230, %add3A_231 : i32
        %get3A_233 = arith.index_cast %add3A_232 : i32 to index
        %get3A_234 = arith.constant 0 : index
        %get3A_235 = tpu.vector_load %arg7[%get3A_233, %get3A_234] {strides = array<i32>} : memref<112x128xf32, #tpu.memory_space<vmem>>, vector<1x16xf32>,
        %get3A_236 = vector.shape_cast %get3A_235 : vector<1x16xf32> to vector<16xf32>
        %get3A_237 = arith.index_cast %add3A_232 : i32 to index
        %get3A_238 = arith.constant 0 : index
        %get3A_239 = tpu.vector_load %arg9[%get3A_237, %get3A_238] {strides = array<i32>} : memref<112x128xf32, #tpu.memory_space<vmem>>, vector<1x16xf32>,
        %get3A_240 = vector.shape_cast %get3A_239 : vector<1x16xf32> to vector<16xf32>
        %add3A_241 = arith.addf %get3A_236, %get3A_240 : vector<16xf32>
        %swap3A_242 = arith.index_cast %add3A_232 : i32 to index
        %swap3A_243 = arith.constant 0 : index
        %swap3A_244 = tpu.vector_load %arg11[%swap3A_242, %swap3A_243] {strides = array<i32>} : memref<112x128xf32, #tpu.memory_space<vmem>>, vector<1x16xf32>,
        %swap3A_245 = vector.shape_cast %swap3A_244 : vector<1x16xf32> to vector<16xf32>
        %swap3A_246 = vector.shape_cast %add3A_241 : vector<16xf32> to vector<1x16xf32>
        tpu.vector_store %arg11[%swap3A_242, %swap3A_243], %swap3A_246 {strides = array<i32>} : memref<112x128xf32, #tpu.memory_space<vmem>>, vector<1x16xf32>,
        %get3A_247 = arith.index_cast %add3A_232 : i32 to index
        %get3A_248 = arith.constant 16 : index
        %get3A_249 = tpu.vector_load %arg7[%get3A_247, %get3A_248] {strides = array<i32>} : memref<112x128xf32, #tpu.memory_space<vmem>>, vector<1x16xf32>,
        %get3A_250 = vector.shape_cast %get3A_249 : vector<1x16xf32> to vector<16xf32>
        %get3A_251 = arith.index_cast %add3A_232 : i32 to index
        %get3A_252 = arith.constant 16 : index
        %get3A_253 = tpu.vector_load %arg9[%get3A_251, %get3A_252] {strides = array<i32>} : memref<112x128xf32, #tpu.memory_space<vmem>>, vector<1x16xf32>,
        %get3A_254 = vector.shape_cast %get3A_253 : vector<1x16xf32> to vector<16xf32>
        %add3A_255 = arith.addf %get3A_250, %get3A_254 : vector<16xf32>
        %swap3A_256 = arith.index_cast %add3A_232 : i32 to index
        %swap3A_257 = arith.constant 16 : index
        %swap3A_258 = tpu.vector_load %arg11[%swap3A_256, %swap3A_257] {strides = array<i32>} : memref<112x128xf32, #tpu.memory_space<vmem>>, vector<1x16xf32>,
        %swap3A_259 = vector.shape_cast %swap3A_258 : vector<1x16xf32> to vector<16xf32>
        %swap3A_260 = vector.shape_cast %add3A_255 : vector<16xf32> to vector<1x16xf32>
        tpu.vector_store %arg11[%swap3A_256, %swap3A_257], %swap3A_260 {strides = array<i32>} : memref<112x128xf32, #tpu.memory_space<vmem>>, vector<1x16xf32>,
        %get3A_261 = arith.index_cast %add3A_232 : i32 to index
        %get3A_262 = arith.constant 32 : index
        %get3A_263 = tpu.vector_load %arg7[%get3A_261, %get3A_262] {strides = array<i32>} : memref<112x128xf32, #tpu.memory_space<vmem>>, vector<1x16xf32>,
        %get3A_264 = vector.shape_cast %get3A_263 : vector<1x16xf32> to vector<16xf32>
        %get3A_265 = arith.index_cast %add3A_232 : i32 to index
        %get3A_266 = arith.constant 32 : index
        %get3A_267 = tpu.vector_load %arg9[%get3A_265, %get3A_266] {strides = array<i32>} : memref<112x128xf32, #tpu.memory_space<vmem>>, vector<1x16xf32>,
        %get3A_268 = vector.shape_cast %get3A_267 : vector<1x16xf32> to vector<16xf32>
        %add3A_269 = arith.addf %get3A_264, %get3A_268 : vector<16xf32>
        %swap3A_270 = arith.index_cast %add3A_232 : i32 to index
        %swap3A_271 = arith.constant 32 : index
        %swap3A_272 = tpu.vector_load %arg11[%swap3A_270, %swap3A_271] {strides = array<i32>} : memref<112x128xf32, #tpu.memory_space<vmem>>, vector<1x16xf32>,
        %swap3A_273 = vector.shape_cast %swap3A_272 : vector<1x16xf32> to vector<16xf32>
        %swap3A_274 = vector.shape_cast %add3A_269 : vector<16xf32> to vector<1x16xf32>
        tpu.vector_store %arg11[%swap3A_270, %swap3A_271], %swap3A_274 {strides = array<i32>} : memref<112x128xf32, #tpu.memory_space<vmem>>, vector<1x16xf32>,
        %get3A_275 = arith.index_cast %add3A_232 : i32 to index
        %get3A_276 = arith.constant 48 : index
        %get3A_277 = tpu.vector_load %arg7[%get3A_275, %get3A_276] {strides = array<i32>} : memref<112x128xf32, #tpu.memory_space<vmem>>, vector<1x16xf32>,
        %get3A_278 = vector.shape_cast %get3A_277 : vector<1x16xf32> to vector<16xf32>
        %get3A_279 = arith.index_cast %add3A_232 : i32 to index
        %get3A_280 = arith.constant 48 : index
        %get3A_281 = tpu.vector_load %arg9[%get3A_279, %get3A_280] {strides = array<i32>} : memref<112x128xf32, #tpu.memory_space<vmem>>, vector<1x16xf32>,
        %get3A_282 = vector.shape_cast %get3A_281 : vector<1x16xf32> to vector<16xf32>
        %add3A_283 = arith.addf %get3A_278, %get3A_282 : vector<16xf32>
        %swap3A_284 = arith.index_cast %add3A_232 : i32 to index
        %swap3A_285 = arith.constant 48 : index
        %swap3A_286 = tpu.vector_load %arg11[%swap3A_284, %swap3A_285] {strides = array<i32>} : memref<112x128xf32, #tpu.memory_space<vmem>>, vector<1x16xf32>,
        %swap3A_287 = vector.shape_cast %swap3A_286 : vector<1x16xf32> to vector<16xf32>
        %swap3A_288 = vector.shape_cast %add3A_283 : vector<16xf32> to vector<1x16xf32>
        tpu.vector_store %arg11[%swap3A_284, %swap3A_285], %swap3A_288 {strides = array<i32>} : memref<112x128xf32, #tpu.memory_space<vmem>>, vector<1x16xf32>,
        %get3A_289 = arith.index_cast %add3A_232 : i32 to index
        %get3A_290 = arith.constant 64 : index
        %get3A_291 = tpu.vector_load %arg7[%get3A_289, %get3A_290] {strides = array<i32>} : memref<112x128xf32, #tpu.memory_space<vmem>>, vector<1x16xf32>,
        %get3A_292 = vector.shape_cast %get3A_291 : vector<1x16xf32> to vector<16xf32>
        %get3A_293 = arith.index_cast %add3A_232 : i32 to index
        %get3A_294 = arith.constant 64 : index
        %get3A_295 = tpu.vector_load %arg9[%get3A_293, %get3A_294] {strides = array<i32>} : memref<112x128xf32, #tpu.memory_space<vmem>>, vector<1x16xf32>,
        %get3A_296 = vector.shape_cast %get3A_295 : vector<1x16xf32> to vector<16xf32>
        %add3A_297 = arith.addf %get3A_292, %get3A_296 : vector<16xf32>
        %swap3A_298 = arith.index_cast %add3A_232 : i32 to index
        %swap3A_299 = arith.constant 64 : index
        %swap3A_300 = tpu.vector_load %arg11[%swap3A_298, %swap3A_299] {strides = array<i32>} : memref<112x128xf32, #tpu.memory_space<vmem>>, vector<1x16xf32>,
        %swap3A_301 = vector.shape_cast %swap3A_300 : vector<1x16xf32> to vector<16xf32>
        %swap3A_302 = vector.shape_cast %add3A_297 : vector<16xf32> to vector<1x16xf32>
        tpu.vector_store %arg11[%swap3A_298, %swap3A_299], %swap3A_302 {strides = array<i32>} : memref<112x128xf32, #tpu.memory_space<vmem>>, vector<1x16xf32>,
        %get3A_303 = arith.index_cast %add3A_232 : i32 to index
        %get3A_304 = arith.constant 80 : index
        %get3A_305 = tpu.vector_load %arg7[%get3A_303, %get3A_304] {strides = array<i32>} : memref<112x128xf32, #tpu.memory_space<vmem>>, vector<1x16xf32>,
        %get3A_306 = vector.shape_cast %get3A_305 : vector<1x16xf32> to vector<16xf32>
        %get3A_307 = arith.index_cast %add3A_232 : i32 to index
        %get3A_308 = arith.constant 80 : index
        %get3A_309 = tpu.vector_load %arg9[%get3A_307, %get3A_308] {strides = array<i32>} : memref<112x128xf32, #tpu.memory_space<vmem>>, vector<1x16xf32>,
        %get3A_310 = vector.shape_cast %get3A_309 : vector<1x16xf32> to vector<16xf32>
        %add3A_311 = arith.addf %get3A_306, %get3A_310 : vector<16xf32>
        %swap3A_312 = arith.index_cast %add3A_232 : i32 to index
        %swap3A_313 = arith.constant 80 : index
        %swap3A_314 = tpu.vector_load %arg11[%swap3A_312, %swap3A_313] {strides = array<i32>} : memref<112x128xf32, #tpu.memory_space<vmem>>, vector<1x16xf32>,
        %swap3A_315 = vector.shape_cast %swap3A_314 : vector<1x16xf32> to vector<16xf32>
        %swap3A_316 = vector.shape_cast %add3A_311 : vector<16xf32> to vector<1x16xf32>
        tpu.vector_store %arg11[%swap3A_312, %swap3A_313], %swap3A_316 {strides = array<i32>} : memref<112x128xf32, #tpu.memory_space<vmem>>, vector<1x16xf32>,
        %get3A_317 = arith.index_cast %add3A_232 : i32 to index
        %get3A_318 = arith.constant 96 : index
        %get3A_319 = tpu.vector_load %arg7[%get3A_317, %get3A_318] {strides = array<i32>} : memref<112x128xf32, #tpu.memory_space<vmem>>, vector<1x16xf32>,
        %get3A_320 = vector.shape_cast %get3A_319 : vector<1x16xf32> to vector<16xf32>
        %get3A_321 = arith.index_cast %add3A_232 : i32 to index
        %get3A_322 = arith.constant 96 : index
        %get3A_323 = tpu.vector_load %arg9[%get3A_321, %get3A_322] {strides = array<i32>} : memref<112x128xf32, #tpu.memory_space<vmem>>, vector<1x16xf32>,
        %get3A_324 = vector.shape_cast %get3A_323 : vector<1x16xf32> to vector<16xf32>
        %add3A_325 = arith.addf %get3A_320, %get3A_324 : vector<16xf32>
        %swap3A_326 = arith.index_cast %add3A_232 : i32 to index
        %swap3A_327 = arith.constant 96 : index
        %swap3A_328 = tpu.vector_load %arg11[%swap3A_326, %swap3A_327] {strides = array<i32>} : memref<112x128xf32, #tpu.memory_space<vmem>>, vector<1x16xf32>,
        %swap3A_329 = vector.shape_cast %swap3A_328 : vector<1x16xf32> to vector<16xf32>
        %swap3A_330 = vector.shape_cast %add3A_325 : vector<16xf32> to vector<1x16xf32>
        tpu.vector_store %arg11[%swap3A_326, %swap3A_327], %swap3A_330 {strides = array<i32>} : memref<112x128xf32, #tpu.memory_space<vmem>>, vector<1x16xf32>,
        %get3A_331 = arith.index_cast %add3A_232 : i32 to index
        %get3A_332 = arith.constant 112 : index
        %get3A_333 = tpu.vector_load %arg7[%get3A_331, %get3A_332] {strides = array<i32>} : memref<112x128xf32, #tpu.memory_space<vmem>>, vector<1x16xf32>,
        %get3A_334 = vector.shape_cast %get3A_333 : vector<1x16xf32> to vector<16xf32>
        %get3A_335 = arith.index_cast %add3A_232 : i32 to index
        %get3A_336 = arith.constant 112 : index
        %get3A_337 = tpu.vector_load %arg9[%get3A_335, %get3A_336] {strides = array<i32>} : memref<112x128xf32, #tpu.memory_space<vmem>>, vector<1x16xf32>,
        %get3A_338 = vector.shape_cast %get3A_337 : vector<1x16xf32> to vector<16xf32>
        %add3A_339 = arith.addf %get3A_334, %get3A_338 : vector<16xf32>
        %swap3A_340 = arith.index_cast %add3A_232 : i32 to index
        %swap3A_341 = arith.constant 112 : index
        %swap3A_342 = tpu.vector_load %arg11[%swap3A_340, %swap3A_341] {strides = array<i32>} : memref<112x128xf32, #tpu.memory_space<vmem>>, vector<1x16xf32>,
        %swap3A_343 = vector.shape_cast %swap3A_342 : vector<1x16xf32> to vector<16xf32>
        %swap3A_344 = vector.shape_cast %add3A_339 : vector<16xf32> to vector<1x16xf32>
        tpu.vector_store %arg11[%swap3A_340, %swap3A_341], %swap3A_344 {strides = array<i32>} : memref<112x128xf32, #tpu.memory_space<vmem>>, vector<1x16xf32>,
        %mul3A_345 = arith.constant 4 : i32
        %mul3A_346 = arith.muli %scan3A_114, %mul3A_345 : i32
        %add3A_347 = arith.constant 2 : i32
        %add3A_348 = arith.addi %mul3A_346, %add3A_347 : i32
        %get3A_349 = arith.index_cast %add3A_348 : i32 to index
        %get3A_350 = arith.constant 0 : index
        %get3A_351 = tpu.vector_load %arg7[%get3A_349, %get3A_350] {strides = array<i32>} : memref<112x128xf32, #tpu.memory_space<vmem>>, vector<1x16xf32>,
        %get3A_352 = vector.shape_cast %get3A_351 : vector<1x16xf32> to vector<16xf32>
        %get3A_353 = arith.index_cast %add3A_348 : i32 to index
        %get3A_354 = arith.constant 0 : index
        %get3A_355 = tpu.vector_load %arg9[%get3A_353, %get3A_354] {strides = array<i32>} : memref<112x128xf32, #tpu.memory_space<vmem>>, vector<1x16xf32>,
        %get3A_356 = vector.shape_cast %get3A_355 : vector<1x16xf32> to vector<16xf32>
        %add3A_357 = arith.addf %get3A_352, %get3A_356 : vector<16xf32>
        %swap3A_358 = arith.index_cast %add3A_348 : i32 to index
        %swap3A_359 = arith.constant 0 : index
        %swap3A_360 = tpu.vector_load %arg11[%swap3A_358, %swap3A_359] {strides = array<i32>} : memref<112x128xf32, #tpu.memory_space<vmem>>, vector<1x16xf32>,
        %swap3A_361 = vector.shape_cast %swap3A_360 : vector<1x16xf32> to vector<16xf32>
        %swap3A_362 = vector.shape_cast %add3A_357 : vector<16xf32> to vector<1x16xf32>
        tpu.vector_store %arg11[%swap3A_358, %swap3A_359], %swap3A_362 {strides = array<i32>} : memref<112x128xf32, #tpu.memory_space<vmem>>, vector<1x16xf32>,
        %get3A_363 = arith.index_cast %add3A_348 : i32 to index
        %get3A_364 = arith.constant 16 : index
        %get3A_365 = tpu.vector_load %arg7[%get3A_363, %get3A_364] {strides = array<i32>} : memref<112x128xf32, #tpu.memory_space<vmem>>, vector<1x16xf32>,
        %get3A_366 = vector.shape_cast %get3A_365 : vector<1x16xf32> to vector<16xf32>
        %get3A_367 = arith.index_cast %add3A_348 : i32 to index
        %get3A_368 = arith.constant 16 : index
        %get3A_369 = tpu.vector_load %arg9[%get3A_367, %get3A_368] {strides = array<i32>} : memref<112x128xf32, #tpu.memory_space<vmem>>, vector<1x16xf32>,
        %get3A_370 = vector.shape_cast %get3A_369 : vector<1x16xf32> to vector<16xf32>
        %add3A_371 = arith.addf %get3A_366, %get3A_370 : vector<16xf32>
        %swap3A_372 = arith.index_cast %add3A_348 : i32 to index
        %swap3A_373 = arith.constant 16 : index
        %swap3A_374 = tpu.vector_load %arg11[%swap3A_372, %swap3A_373] {strides = array<i32>} : memref<112x128xf32, #tpu.memory_space<vmem>>, vector<1x16xf32>,
        %swap3A_375 = vector.shape_cast %swap3A_374 : vector<1x16xf32> to vector<16xf32>
        %swap3A_376 = vector.shape_cast %add3A_371 : vector<16xf32> to vector<1x16xf32>
        tpu.vector_store %arg11[%swap3A_372, %swap3A_373], %swap3A_376 {strides = array<i32>} : memref<112x128xf32, #tpu.memory_space<vmem>>, vector<1x16xf32>,
        %get3A_377 = arith.index_cast %add3A_348 : i32 to index
        %get3A_378 = arith.constant 32 : index
        %get3A_379 = tpu.vector_load %arg7[%get3A_377, %get3A_378] {strides = array<i32>} : memref<112x128xf32, #tpu.memory_space<vmem>>, vector<1x16xf32>,
        %get3A_380 = vector.shape_cast %get3A_379 : vector<1x16xf32> to vector<16xf32>
        %get3A_381 = arith.index_cast %add3A_348 : i32 to index
        %get3A_382 = arith.constant 32 : index
        %get3A_383 = tpu.vector_load %arg9[%get3A_381, %get3A_382] {strides = array<i32>} : memref<112x128xf32, #tpu.memory_space<vmem>>, vector<1x16xf32>,
        %get3A_384 = vector.shape_cast %get3A_383 : vector<1x16xf32> to vector<16xf32>
        %add3A_385 = arith.addf %get3A_380, %get3A_384 : vector<16xf32>
        %swap3A_386 = arith.index_cast %add3A_348 : i32 to index
        %swap3A_387 = arith.constant 32 : index
        %swap3A_388 = tpu.vector_load %arg11[%swap3A_386, %swap3A_387] {strides = array<i32>} : memref<112x128xf32, #tpu.memory_space<vmem>>, vector<1x16xf32>,
        %swap3A_389 = vector.shape_cast %swap3A_388 : vector<1x16xf32> to vector<16xf32>
        %swap3A_390 = vector.shape_cast %add3A_385 : vector<16xf32> to vector<1x16xf32>
        tpu.vector_store %arg11[%swap3A_386, %swap3A_387], %swap3A_390 {strides = array<i32>} : memref<112x128xf32, #tpu.memory_space<vmem>>, vector<1x16xf32>,
        %get3A_391 = arith.index_cast %add3A_348 : i32 to index
        %get3A_392 = arith.constant 48 : index
        %get3A_393 = tpu.vector_load %arg7[%get3A_391, %get3A_392] {strides = array<i32>} : memref<112x128xf32, #tpu.memory_space<vmem>>, vector<1x16xf32>,
        %get3A_394 = vector.shape_cast %get3A_393 : vector<1x16xf32> to vector<16xf32>
        %get3A_395 = arith.index_cast %add3A_348 : i32 to index
        %get3A_396 = arith.constant 48 : index
        %get3A_397 = tpu.vector_load %arg9[%get3A_395, %get3A_396] {strides = array<i32>} : memref<112x128xf32, #tpu.memory_space<vmem>>, vector<1x16xf32>,
        %get3A_398 = vector.shape_cast %get3A_397 : vector<1x16xf32> to vector<16xf32>
        %add3A_399 = arith.addf %get3A_394, %get3A_398 : vector<16xf32>
        %swap3A_400 = arith.index_cast %add3A_348 : i32 to index
        %swap3A_401 = arith.constant 48 : index
        %swap3A_402 = tpu.vector_load %arg11[%swap3A_400, %swap3A_401] {strides = array<i32>} : memref<112x128xf32, #tpu.memory_space<vmem>>, vector<1x16xf32>,
        %swap3A_403 = vector.shape_cast %swap3A_402 : vector<1x16xf32> to vector<16xf32>
        %swap3A_404 = vector.shape_cast %add3A_399 : vector<16xf32> to vector<1x16xf32>
        tpu.vector_store %arg11[%swap3A_400, %swap3A_401], %swap3A_404 {strides = array<i32>} : memref<112x128xf32, #tpu.memory_space<vmem>>, vector<1x16xf32>,
        %get3A_405 = arith.index_cast %add3A_348 : i32 to index
        %get3A_406 = arith.constant 64 : index
        %get3A_407 = tpu.vector_load %arg7[%get3A_405, %get3A_406] {strides = array<i32>} : memref<112x128xf32, #tpu.memory_space<vmem>>, vector<1x16xf32>,
        %get3A_408 = vector.shape_cast %get3A_407 : vector<1x16xf32> to vector<16xf32>
        %get3A_409 = arith.index_cast %add3A_348 : i32 to index
        %get3A_410 = arith.constant 64 : index
        %get3A_411 = tpu.vector_load %arg9[%get3A_409, %get3A_410] {strides = array<i32>} : memref<112x128xf32, #tpu.memory_space<vmem>>, vector<1x16xf32>,
        %get3A_412 = vector.shape_cast %get3A_411 : vector<1x16xf32> to vector<16xf32>
        %add3A_413 = arith.addf %get3A_408, %get3A_412 : vector<16xf32>
        %swap3A_414 = arith.index_cast %add3A_348 : i32 to index
        %swap3A_415 = arith.constant 64 : index
        %swap3A_416 = tpu.vector_load %arg11[%swap3A_414, %swap3A_415] {strides = array<i32>} : memref<112x128xf32, #tpu.memory_space<vmem>>, vector<1x16xf32>,
        %swap3A_417 = vector.shape_cast %swap3A_416 : vector<1x16xf32> to vector<16xf32>
        %swap3A_418 = vector.shape_cast %add3A_413 : vector<16xf32> to vector<1x16xf32>
        tpu.vector_store %arg11[%swap3A_414, %swap3A_415], %swap3A_418 {strides = array<i32>} : memref<112x128xf32, #tpu.memory_space<vmem>>, vector<1x16xf32>,
        %get3A_419 = arith.index_cast %add3A_348 : i32 to index
        %get3A_420 = arith.constant 80 : index
        %get3A_421 = tpu.vector_load %arg7[%get3A_419, %get3A_420] {strides = array<i32>} : memref<112x128xf32, #tpu.memory_space<vmem>>, vector<1x16xf32>,
        %get3A_422 = vector.shape_cast %get3A_421 : vector<1x16xf32> to vector<16xf32>
        %get3A_423 = arith.index_cast %add3A_348 : i32 to index
        %get3A_424 = arith.constant 80 : index
        %get3A_425 = tpu.vector_load %arg9[%get3A_423, %get3A_424] {strides = array<i32>} : memref<112x128xf32, #tpu.memory_space<vmem>>, vector<1x16xf32>,
        %get3A_426 = vector.shape_cast %get3A_425 : vector<1x16xf32> to vector<16xf32>
        %add3A_427 = arith.addf %get3A_422, %get3A_426 : vector<16xf32>
        %swap3A_428 = arith.index_cast %add3A_348 : i32 to index
        %swap3A_429 = arith.constant 80 : index
        %swap3A_430 = tpu.vector_load %arg11[%swap3A_428, %swap3A_429] {strides = array<i32>} : memref<112x128xf32, #tpu.memory_space<vmem>>, vector<1x16xf32>,
        %swap3A_431 = vector.shape_cast %swap3A_430 : vector<1x16xf32> to vector<16xf32>
        %swap3A_432 = vector.shape_cast %add3A_427 : vector<16xf32> to vector<1x16xf32>
        tpu.vector_store %arg11[%swap3A_428, %swap3A_429], %swap3A_432 {strides = array<i32>} : memref<112x128xf32, #tpu.memory_space<vmem>>, vector<1x16xf32>,
        %get3A_433 = arith.index_cast %add3A_348 : i32 to index
        %get3A_434 = arith.constant 96 : index
        %get3A_435 = tpu.vector_load %arg7[%get3A_433, %get3A_434] {strides = array<i32>} : memref<112x128xf32, #tpu.memory_space<vmem>>, vector<1x16xf32>,
        %get3A_436 = vector.shape_cast %get3A_435 : vector<1x16xf32> to vector<16xf32>
        %get3A_437 = arith.index_cast %add3A_348 : i32 to index
        %get3A_438 = arith.constant 96 : index
        %get3A_439 = tpu.vector_load %arg9[%get3A_437, %get3A_438] {strides = array<i32>} : memref<112x128xf32, #tpu.memory_space<vmem>>, vector<1x16xf32>,
        %get3A_440 = vector.shape_cast %get3A_439 : vector<1x16xf32> to vector<16xf32>
        %add3A_441 = arith.addf %get3A_436, %get3A_440 : vector<16xf32>
        %swap3A_442 = arith.index_cast %add3A_348 : i32 to index
        %swap3A_443 = arith.constant 96 : index
        %swap3A_444 = tpu.vector_load %arg11[%swap3A_442, %swap3A_443] {strides = array<i32>} : memref<112x128xf32, #tpu.memory_space<vmem>>, vector<1x16xf32>,
        %swap3A_445 = vector.shape_cast %swap3A_444 : vector<1x16xf32> to vector<16xf32>
        %swap3A_446 = vector.shape_cast %add3A_441 : vector<16xf32> to vector<1x16xf32>
        tpu.vector_store %arg11[%swap3A_442, %swap3A_443], %swap3A_446 {strides = array<i32>} : memref<112x128xf32, #tpu.memory_space<vmem>>, vector<1x16xf32>,
        %get3A_447 = arith.index_cast %add3A_348 : i32 to index
        %get3A_448 = arith.constant 112 : index
        %get3A_449 = tpu.vector_load %arg7[%get3A_447, %get3A_448] {strides = array<i32>} : memref<112x128xf32, #tpu.memory_space<vmem>>, vector<1x16xf32>,
        %get3A_450 = vector.shape_cast %get3A_449 : vector<1x16xf32> to vector<16xf32>
        %get3A_451 = arith.index_cast %add3A_348 : i32 to index
        %get3A_452 = arith.constant 112 : index
        %get3A_453 = tpu.vector_load %arg9[%get3A_451, %get3A_452] {strides = array<i32>} : memref<112x128xf32, #tpu.memory_space<vmem>>, vector<1x16xf32>,
        %get3A_454 = vector.shape_cast %get3A_453 : vector<1x16xf32> to vector<16xf32>
        %add3A_455 = arith.addf %get3A_450, %get3A_454 : vector<16xf32>
        %swap3A_456 = arith.index_cast %add3A_348 : i32 to index
        %swap3A_457 = arith.constant 112 : index
        %swap3A_458 = tpu.vector_load %arg11[%swap3A_456, %swap3A_457] {strides = array<i32>} : memref<112x128xf32, #tpu.memory_space<vmem>>, vector<1x16xf32>,
        %swap3A_459 = vector.shape_cast %swap3A_458 : vector<1x16xf32> to vector<16xf32>
        %swap3A_460 = vector.shape_cast %add3A_455 : vector<16xf32> to vector<1x16xf32>
        tpu.vector_store %arg11[%swap3A_456, %swap3A_457], %swap3A_460 {strides = array<i32>} : memref<112x128xf32, #tpu.memory_space<vmem>>, vector<1x16xf32>,
        %mul3A_461 = arith.constant 4 : i32
        %mul3A_462 = arith.muli %scan3A_114, %mul3A_461 : i32
        %add3A_463 = arith.constant 3 : i32
        %add3A_464 = arith.addi %mul3A_462, %add3A_463 : i32
        %get3A_465 = arith.index_cast %add3A_464 : i32 to index
        %get3A_466 = arith.constant 0 : index
        %get3A_467 = tpu.vector_load %arg7[%get3A_465, %get3A_466] {strides = array<i32>} : memref<112x128xf32, #tpu.memory_space<vmem>>, vector<1x16xf32>,
        %get3A_468 = vector.shape_cast %get3A_467 : vector<1x16xf32> to vector<16xf32>
        %get3A_469 = arith.index_cast %add3A_464 : i32 to index
        %get3A_470 = arith.constant 0 : index
        %get3A_471 = tpu.vector_load %arg9[%get3A_469, %get3A_470] {strides = array<i32>} : memref<112x128xf32, #tpu.memory_space<vmem>>, vector<1x16xf32>,
        %get3A_472 = vector.shape_cast %get3A_471 : vector<1x16xf32> to vector<16xf32>
        %add3A_473 = arith.addf %get3A_468, %get3A_472 : vector<16xf32>
        %swap3A_474 = arith.index_cast %add3A_464 : i32 to index
        %swap3A_475 = arith.constant 0 : index
        %swap3A_476 = tpu.vector_load %arg11[%swap3A_474, %swap3A_475] {strides = array<i32>} : memref<112x128xf32, #tpu.memory_space<vmem>>, vector<1x16xf32>,
        %swap3A_477 = vector.shape_cast %swap3A_476 : vector<1x16xf32> to vector<16xf32>
        %swap3A_478 = vector.shape_cast %add3A_473 : vector<16xf32> to vector<1x16xf32>
        tpu.vector_store %arg11[%swap3A_474, %swap3A_475], %swap3A_478 {strides = array<i32>} : memref<112x128xf32, #tpu.memory_space<vmem>>, vector<1x16xf32>,
        %get3A_479 = arith.index_cast %add3A_464 : i32 to index
        %get3A_480 = arith.constant 16 : index
        %get3A_481 = tpu.vector_load %arg7[%get3A_479, %get3A_480] {strides = array<i32>} : memref<112x128xf32, #tpu.memory_space<vmem>>, vector<1x16xf32>,
        %get3A_482 = vector.shape_cast %get3A_481 : vector<1x16xf32> to vector<16xf32>
        %get3A_483 = arith.index_cast %add3A_464 : i32 to index
        %get3A_484 = arith.constant 16 : index
        %get3A_485 = tpu.vector_load %arg9[%get3A_483, %get3A_484] {strides = array<i32>} : memref<112x128xf32, #tpu.memory_space<vmem>>, vector<1x16xf32>,
        %get3A_486 = vector.shape_cast %get3A_485 : vector<1x16xf32> to vector<16xf32>
        %add3A_487 = arith.addf %get3A_482, %get3A_486 : vector<16xf32>
        %swap3A_488 = arith.index_cast %add3A_464 : i32 to index
        %swap3A_489 = arith.constant 16 : index
        %swap3A_490 = tpu.vector_load %arg11[%swap3A_488, %swap3A_489] {strides = array<i32>} : memref<112x128xf32, #tpu.memory_space<vmem>>, vector<1x16xf32>,
        %swap3A_491 = vector.shape_cast %swap3A_490 : vector<1x16xf32> to vector<16xf32>
        %swap3A_492 = vector.shape_cast %add3A_487 : vector<16xf32> to vector<1x16xf32>
        tpu.vector_store %arg11[%swap3A_488, %swap3A_489], %swap3A_492 {strides = array<i32>} : memref<112x128xf32, #tpu.memory_space<vmem>>, vector<1x16xf32>,
        %get3A_493 = arith.index_cast %add3A_464 : i32 to index
        %get3A_494 = arith.constant 32 : index
        %get3A_495 = tpu.vector_load %arg7[%get3A_493, %get3A_494] {strides = array<i32>} : memref<112x128xf32, #tpu.memory_space<vmem>>, vector<1x16xf32>,
        %get3A_496 = vector.shape_cast %get3A_495 : vector<1x16xf32> to vector<16xf32>
        %get3A_497 = arith.index_cast %add3A_464 : i32 to index
        %get3A_498 = arith.constant 32 : index
        %get3A_499 = tpu.vector_load %arg9[%get3A_497, %get3A_498] {strides = array<i32>} : memref<112x128xf32, #tpu.memory_space<vmem>>, vector<1x16xf32>,
        %get3A_500 = vector.shape_cast %get3A_499 : vector<1x16xf32> to vector<16xf32>
        %add3A_501 = arith.addf %get3A_496, %get3A_500 : vector<16xf32>
        %swap3A_502 = arith.index_cast %add3A_464 : i32 to index
        %swap3A_503 = arith.constant 32 : index
        %swap3A_504 = tpu.vector_load %arg11[%swap3A_502, %swap3A_503] {strides = array<i32>} : memref<112x128xf32, #tpu.memory_space<vmem>>, vector<1x16xf32>,
        %swap3A_505 = vector.shape_cast %swap3A_504 : vector<1x16xf32> to vector<16xf32>
        %swap3A_506 = vector.shape_cast %add3A_501 : vector<16xf32> to vector<1x16xf32>
        tpu.vector_store %arg11[%swap3A_502, %swap3A_503], %swap3A_506 {strides = array<i32>} : memref<112x128xf32, #tpu.memory_space<vmem>>, vector<1x16xf32>,
        %get3A_507 = arith.index_cast %add3A_464 : i32 to index
        %get3A_508 = arith.constant 48 : index
        %get3A_509 = tpu.vector_load %arg7[%get3A_507, %get3A_508] {strides = array<i32>} : memref<112x128xf32, #tpu.memory_space<vmem>>, vector<1x16xf32>,
        %get3A_510 = vector.shape_cast %get3A_509 : vector<1x16xf32> to vector<16xf32>
        %get3A_511 = arith.index_cast %add3A_464 : i32 to index
        %get3A_512 = arith.constant 48 : index
        %get3A_513 = tpu.vector_load %arg9[%get3A_511, %get3A_512] {strides = array<i32>} : memref<112x128xf32, #tpu.memory_space<vmem>>, vector<1x16xf32>,
        %get3A_514 = vector.shape_cast %get3A_513 : vector<1x16xf32> to vector<16xf32>
        %add3A_515 = arith.addf %get3A_510, %get3A_514 : vector<16xf32>
        %swap3A_516 = arith.index_cast %add3A_464 : i32 to index
        %swap3A_517 = arith.constant 48 : index
        %swap3A_518 = tpu.vector_load %arg11[%swap3A_516, %swap3A_517] {strides = array<i32>} : memref<112x128xf32, #tpu.memory_space<vmem>>, vector<1x16xf32>,
        %swap3A_519 = vector.shape_cast %swap3A_518 : vector<1x16xf32> to vector<16xf32>
        %swap3A_520 = vector.shape_cast %add3A_515 : vector<16xf32> to vector<1x16xf32>
        tpu.vector_store %arg11[%swap3A_516, %swap3A_517], %swap3A_520 {strides = array<i32>} : memref<112x128xf32, #tpu.memory_space<vmem>>, vector<1x16xf32>,
        %get3A_521 = arith.index_cast %add3A_464 : i32 to index
        %get3A_522 = arith.constant 64 : index
        %get3A_523 = tpu.vector_load %arg7[%get3A_521, %get3A_522] {strides = array<i32>} : memref<112x128xf32, #tpu.memory_space<vmem>>, vector<1x16xf32>,
        %get3A_524 = vector.shape_cast %get3A_523 : vector<1x16xf32> to vector<16xf32>
        %get3A_525 = arith.index_cast %add3A_464 : i32 to index
        %get3A_526 = arith.constant 64 : index
        %get3A_527 = tpu.vector_load %arg9[%get3A_525, %get3A_526] {strides = array<i32>} : memref<112x128xf32, #tpu.memory_space<vmem>>, vector<1x16xf32>,
        %get3A_528 = vector.shape_cast %get3A_527 : vector<1x16xf32> to vector<16xf32>
        %add3A_529 = arith.addf %get3A_524, %get3A_528 : vector<16xf32>
        %swap3A_530 = arith.index_cast %add3A_464 : i32 to index
        %swap3A_531 = arith.constant 64 : index
        %swap3A_532 = tpu.vector_load %arg11[%swap3A_530, %swap3A_531] {strides = array<i32>} : memref<112x128xf32, #tpu.memory_space<vmem>>, vector<1x16xf32>,
        %swap3A_533 = vector.shape_cast %swap3A_532 : vector<1x16xf32> to vector<16xf32>
        %swap3A_534 = vector.shape_cast %add3A_529 : vector<16xf32> to vector<1x16xf32>
        tpu.vector_store %arg11[%swap3A_530, %swap3A_531], %swap3A_534 {strides = array<i32>} : memref<112x128xf32, #tpu.memory_space<vmem>>, vector<1x16xf32>,
        %get3A_535 = arith.index_cast %add3A_464 : i32 to index
        %get3A_536 = arith.constant 80 : index
        %get3A_537 = tpu.vector_load %arg7[%get3A_535, %get3A_536] {strides = array<i32>} : memref<112x128xf32, #tpu.memory_space<vmem>>, vector<1x16xf32>,
        %get3A_538 = vector.shape_cast %get3A_537 : vector<1x16xf32> to vector<16xf32>
        %get3A_539 = arith.index_cast %add3A_464 : i32 to index
        %get3A_540 = arith.constant 80 : index
        %get3A_541 = tpu.vector_load %arg9[%get3A_539, %get3A_540] {strides = array<i32>} : memref<112x128xf32, #tpu.memory_space<vmem>>, vector<1x16xf32>,
        %get3A_542 = vector.shape_cast %get3A_541 : vector<1x16xf32> to vector<16xf32>
        %add3A_543 = arith.addf %get3A_538, %get3A_542 : vector<16xf32>
        %swap3A_544 = arith.index_cast %add3A_464 : i32 to index
        %swap3A_545 = arith.constant 80 : index
        %swap3A_546 = tpu.vector_load %arg11[%swap3A_544, %swap3A_545] {strides = array<i32>} : memref<112x128xf32, #tpu.memory_space<vmem>>, vector<1x16xf32>,
        %swap3A_547 = vector.shape_cast %swap3A_546 : vector<1x16xf32> to vector<16xf32>
        %swap3A_548 = vector.shape_cast %add3A_543 : vector<16xf32> to vector<1x16xf32>
        tpu.vector_store %arg11[%swap3A_544, %swap3A_545], %swap3A_548 {strides = array<i32>} : memref<112x128xf32, #tpu.memory_space<vmem>>, vector<1x16xf32>,
        %get3A_549 = arith.index_cast %add3A_464 : i32 to index
        %get3A_550 = arith.constant 96 : index
        %get3A_551 = tpu.vector_load %arg7[%get3A_549, %get3A_550] {strides = array<i32>} : memref<112x128xf32, #tpu.memory_space<vmem>>, vector<1x16xf32>,
        %get3A_552 = vector.shape_cast %get3A_551 : vector<1x16xf32> to vector<16xf32>
        %get3A_553 = arith.index_cast %add3A_464 : i32 to index
        %get3A_554 = arith.constant 96 : index
        %get3A_555 = tpu.vector_load %arg9[%get3A_553, %get3A_554] {strides = array<i32>} : memref<112x128xf32, #tpu.memory_space<vmem>>, vector<1x16xf32>,
        %get3A_556 = vector.shape_cast %get3A_555 : vector<1x16xf32> to vector<16xf32>
        %add3A_557 = arith.addf %get3A_552, %get3A_556 : vector<16xf32>
        %swap3A_558 = arith.index_cast %add3A_464 : i32 to index
        %swap3A_559 = arith.constant 96 : index
        %swap3A_560 = tpu.vector_load %arg11[%swap3A_558, %swap3A_559] {strides = array<i32>} : memref<112x128xf32, #tpu.memory_space<vmem>>, vector<1x16xf32>,
        %swap3A_561 = vector.shape_cast %swap3A_560 : vector<1x16xf32> to vector<16xf32>
        %swap3A_562 = vector.shape_cast %add3A_557 : vector<16xf32> to vector<1x16xf32>
        tpu.vector_store %arg11[%swap3A_558, %swap3A_559], %swap3A_562 {strides = array<i32>} : memref<112x128xf32, #tpu.memory_space<vmem>>, vector<1x16xf32>,
        %get3A_563 = arith.index_cast %add3A_464 : i32 to index
        %get3A_564 = arith.constant 112 : index
        %get3A_565 = tpu.vector_load %arg7[%get3A_563, %get3A_564] {strides = array<i32>} : memref<112x128xf32, #tpu.memory_space<vmem>>, vector<1x16xf32>,
        %get3A_566 = vector.shape_cast %get3A_565 : vector<1x16xf32> to vector<16xf32>
        %get3A_567 = arith.index_cast %add3A_464 : i32 to index
        %get3A_568 = arith.constant 112 : index
        %get3A_569 = tpu.vector_load %arg9[%get3A_567, %get3A_568] {strides = array<i32>} : memref<112x128xf32, #tpu.memory_space<vmem>>, vector<1x16xf32>,
        %get3A_570 = vector.shape_cast %get3A_569 : vector<1x16xf32> to vector<16xf32>
        %add3A_571 = arith.addf %get3A_566, %get3A_570 : vector<16xf32>
        %swap3A_572 = arith.index_cast %add3A_464 : i32 to index
        %swap3A_573 = arith.constant 112 : index
        %swap3A_574 = tpu.vector_load %arg11[%swap3A_572, %swap3A_573] {strides = array<i32>} : memref<112x128xf32, #tpu.memory_space<vmem>>, vector<1x16xf32>,
        %swap3A_575 = vector.shape_cast %swap3A_574 : vector<1x16xf32> to vector<16xf32>
        %swap3A_576 = vector.shape_cast %add3A_571 : vector<16xf32> to vector<1x16xf32>
        tpu.vector_store %arg11[%swap3A_572, %swap3A_573], %swap3A_576 {strides = array<i32>} : memref<112x128xf32, #tpu.memory_space<vmem>>, vector<1x16xf32>,
      }
      %scan3A_61 = arith.constant 28 : i32
      %add3A_62 = arith.constant 2 : i32
      %add3A_63 = arith.addi %add3A_43, %add3A_62 : i32
      %lt3A = arith.constant 28 : i32
      %lt3A_64 = arith.cmpi slt, %add3A_63, %lt3A : i32
      %convert_element_type3A_65 = arith.extui %lt3A_64 : i1 to i32
      %cond3A_66 = arith.constant 0 : i32
      %cond3A_67 = arith.cmpi ne, %convert_element_type3A_65, %cond3A_66 : i32
      scf.if %cond3A_67 {
        %add3A_114 = arith.constant 2 : i32
        %add3A_115 = arith.addi %add3A_43, %add3A_114 : i32
        %mul3A_116 = arith.constant 112 : i32
        %mul3A_117 = arith.muli %add3A_115, %mul3A_116 : i32
        %dma_start3A_118 = tpu.memref_slice %arg6[%mul3A_117] : memref<3136xi32, #tpu.memory_space<vmem>> -> memref<112xi32, #tpu.memory_space<vmem>>
        %dma_start3A_119 = arith.constant 0 : i32
        %dma_start3A_120 = arith.constant 0 : i32
        %dma_start3A_121 = tpu.memref_slice %arg3[%dma_start3A_119, %dma_start3A_120] : memref<100000x128xf32, #tpu.memory_space<hbm>> -> memref<100000x128xf32, #tpu.memory_space<hbm>>
        tpu.enqueue_indirect_dma source(%dma_start3A_121 : memref<100000x128xf32, #tpu.memory_space<hbm>>) target(%arg7 : memref<112x128xf32, #tpu.memory_space<vmem>>) offsets(%dma_start3A_118 : memref<112xi32, #tpu.memory_space<vmem>>) semaphore(%arg13 : memref<!tpu.dma_semaphore, #tpu.memory_space<semaphore_mem>>)
        %dma_start3A_122 = tpu.memref_slice %arg6[%mul3A_117] : memref<3136xi32, #tpu.memory_space<vmem>> -> memref<112xi32, #tpu.memory_space<vmem>>
        %dma_start3A_123 = arith.constant 0 : i32
        %dma_start3A_124 = arith.constant 0 : i32
        %dma_start3A_125 = tpu.memref_slice %arg2[%dma_start3A_123, %dma_start3A_124] : memref<100000x128xf32, #tpu.memory_space<hbm>> -> memref<100000x128xf32, #tpu.memory_space<hbm>>
        tpu.enqueue_indirect_dma source(%dma_start3A_125 : memref<100000x128xf32, #tpu.memory_space<hbm>>) target(%arg9 : memref<112x128xf32, #tpu.memory_space<vmem>>) offsets(%dma_start3A_122 : memref<112xi32, #tpu.memory_space<vmem>>) semaphore(%arg15 : memref<!tpu.dma_semaphore, #tpu.memory_space<semaphore_mem>>)
      } else {
      }
      %mul3A_68 = arith.constant 112 : i32
      %mul3A_69 = arith.muli %add3A_43, %mul3A_68 : i32
      %add3A_70 = arith.addi %min3A_3, %mul3A_69 : i32
      %dma_start3A_71 = arith.constant 0 : i32
      %dma_start3A_72 = tpu.memref_slice %arg5[%add3A_70, %dma_start3A_71] : memref<100000x128xf32, #tpu.memory_space<hbm>> -> memref<112x128xf32, #tpu.memory_space<hbm>>
      %dma_start3A_73 = arith.constant 0 : i32
      %dma_start3A_74 = tpu.memref_slice %arg5[%add3A_70, %dma_start3A_73] : memref<100000x128xf32, #tpu.memory_space<hbm>> -> memref<112x128xf32, #tpu.memory_space<hbm>>
      tpu.enqueue_dma source(%arg11 : memref<112x128xf32, #tpu.memory_space<vmem>>) target(%dma_start3A_74 : memref<112x128xf32, #tpu.memory_space<hbm>>) target_semaphore(%arg17 : memref<!tpu.dma_semaphore, #tpu.memory_space<semaphore_mem>>)
      %mul3A_75 = arith.constant 2 : i32
      %mul3A_76 = arith.muli %scan3A_39, %mul3A_75 : i32
      %add3A_77 = arith.constant 1 : i32
      %add3A_78 = arith.addi %mul3A_76, %add3A_77 : i32
      %mul3A_79 = arith.constant 112 : i32
      %mul3A_80 = arith.muli %add3A_78, %mul3A_79 : i32
      %dma_wait3A_81 = tpu.memref_slice %arg6[%mul3A_80] : memref<3136xi32, #tpu.memory_space<vmem>> -> memref<112xi32, #tpu.memory_space<vmem>>
      %dma_wait3A_82 = arith.constant 0 : i32
      %dma_wait3A_83 = arith.constant 0 : i32
      %dma_wait3A_84 = tpu.memref_slice %arg3[%dma_wait3A_82, %dma_wait3A_83] : memref<100000x128xf32, #tpu.memory_space<hbm>> -> memref<100000x128xf32, #tpu.memory_space<hbm>>
      tpu.wait_indirect_dma semaphore(%arg14 : memref<!tpu.dma_semaphore, #tpu.memory_space<semaphore_mem>>) src(%dma_wait3A_84 : memref<100000x128xf32, #tpu.memory_space<hbm>>) dst(%arg8 : memref<112x128xf32, #tpu.memory_space<vmem>>)
      %dma_wait3A_85 = tpu.memref_slice %arg6[%mul3A_80] : memref<3136xi32, #tpu.memory_space<vmem>> -> memref<112xi32, #tpu.memory_space<vmem>>
      %dma_wait3A_86 = arith.constant 0 : i32
      %dma_wait3A_87 = arith.constant 0 : i32
      %dma_wait3A_88 = tpu.memref_slice %arg2[%dma_wait3A_86, %dma_wait3A_87] : memref<100000x128xf32, #tpu.memory_space<hbm>> -> memref<100000x128xf32, #tpu.memory_space<hbm>>
      tpu.wait_indirect_dma semaphore(%arg16 : memref<!tpu.dma_semaphore, #tpu.memory_space<semaphore_mem>>) src(%dma_wait3A_88 : memref<100000x128xf32, #tpu.memory_space<hbm>>) dst(%arg10 : memref<112x128xf32, #tpu.memory_space<vmem>>)
      %ge3A_89 = arith.constant 2 : i32
      %ge3A_90 = arith.cmpi sge, %add3A_78, %ge3A_89 : i32
      %convert_element_type3A_91 = arith.extui %ge3A_90 : i1 to i32
      %cond3A_92 = arith.constant 0 : i32
      %cond3A_93 = arith.cmpi ne, %convert_element_type3A_91, %cond3A_92 : i32
      scf.if %cond3A_93 {
        %sub3A = arith.constant 2 : i32
        %sub3A_114 = arith.subi %add3A_78, %sub3A : i32
        %mul3A_115 = arith.constant 112 : i32
        %mul3A_116 = arith.muli %sub3A_114, %mul3A_115 : i32
        %add3A_117 = arith.addi %min3A_3, %mul3A_116 : i32
        %dma_wait3A_118 = arith.constant 0 : i32
        %dma_wait3A_119 = tpu.memref_slice %arg5[%add3A_117, %dma_wait3A_118] : memref<100000x128xf32, #tpu.memory_space<hbm>> -> memref<112x128xf32, #tpu.memory_space<hbm>>
        %dma_wait3A_120 = arith.constant 0 : i32
        %dma_wait3A_121 = tpu.memref_slice %arg5[%add3A_117, %dma_wait3A_120] : memref<100000x128xf32, #tpu.memory_space<hbm>> -> memref<112x128xf32, #tpu.memory_space<hbm>>
        tpu.wait_dma2 semaphore(%arg18 : memref<!tpu.dma_semaphore, #tpu.memory_space<semaphore_mem>>) src(%arg12 : memref<112x128xf32, #tpu.memory_space<vmem>>) dst(%dma_wait3A_121 : memref<112x128xf32, #tpu.memory_space<hbm>>)
      } else {
      }
      %scan3A_94 = arith.constant 0 : i32
      %scan3A_95 = arith.constant 0 : i32
      %scan3A_96 = arith.constant 28 : i32
      %scan3A_97 = arith.addi %scan3A_95, %scan3A_96 : i32
      %scan3A_98 = arith.constant 1 : i32
      scf.for %scan3A_114 = %scan3A_95 to %scan3A_97 step %scan3A_98  : i32 {
        %mul3A_115 = arith.constant 4 : i32
        %mul3A_116 = arith.muli %scan3A_114, %mul3A_115 : i32
        %add3A_117 = arith.constant 0 : i32
        %add3A_118 = arith.addi %mul3A_116, %add3A_117 : i32
        %get3A = arith.index_cast %add3A_118 : i32 to index
        %get3A_119 = arith.constant 0 : index
        %get3A_120 = tpu.vector_load %arg8[%get3A, %get3A_119] {strides = array<i32>} : memref<112x128xf32, #tpu.memory_space<vmem>>, vector<1x16xf32>,
        %get3A_121 = vector.shape_cast %get3A_120 : vector<1x16xf32> to vector<16xf32>
        %get3A_122 = arith.index_cast %add3A_118 : i32 to index
        %get3A_123 = arith.constant 0 : index
        %get3A_124 = tpu.vector_load %arg10[%get3A_122, %get3A_123] {strides = array<i32>} : memref<112x128xf32, #tpu.memory_space<vmem>>, vector<1x16xf32>,
        %get3A_125 = vector.shape_cast %get3A_124 : vector<1x16xf32> to vector<16xf32>
        %add3A_126 = arith.addf %get3A_121, %get3A_125 : vector<16xf32>
        %swap3A = arith.index_cast %add3A_118 : i32 to index
        %swap3A_127 = arith.constant 0 : index
        %swap3A_128 = tpu.vector_load %arg12[%swap3A, %swap3A_127] {strides = array<i32>} : memref<112x128xf32, #tpu.memory_space<vmem>>, vector<1x16xf32>,
        %swap3A_129 = vector.shape_cast %swap3A_128 : vector<1x16xf32> to vector<16xf32>
        %swap3A_130 = vector.shape_cast %add3A_126 : vector<16xf32> to vector<1x16xf32>
        tpu.vector_store %arg12[%swap3A, %swap3A_127], %swap3A_130 {strides = array<i32>} : memref<112x128xf32, #tpu.memory_space<vmem>>, vector<1x16xf32>,
        %get3A_131 = arith.index_cast %add3A_118 : i32 to index
        %get3A_132 = arith.constant 16 : index
        %get3A_133 = tpu.vector_load %arg8[%get3A_131, %get3A_132] {strides = array<i32>} : memref<112x128xf32, #tpu.memory_space<vmem>>, vector<1x16xf32>,
        %get3A_134 = vector.shape_cast %get3A_133 : vector<1x16xf32> to vector<16xf32>
        %get3A_135 = arith.index_cast %add3A_118 : i32 to index
        %get3A_136 = arith.constant 16 : index
        %get3A_137 = tpu.vector_load %arg10[%get3A_135, %get3A_136] {strides = array<i32>} : memref<112x128xf32, #tpu.memory_space<vmem>>, vector<1x16xf32>,
        %get3A_138 = vector.shape_cast %get3A_137 : vector<1x16xf32> to vector<16xf32>
        %add3A_139 = arith.addf %get3A_134, %get3A_138 : vector<16xf32>
        %swap3A_140 = arith.index_cast %add3A_118 : i32 to index
        %swap3A_141 = arith.constant 16 : index
        %swap3A_142 = tpu.vector_load %arg12[%swap3A_140, %swap3A_141] {strides = array<i32>} : memref<112x128xf32, #tpu.memory_space<vmem>>, vector<1x16xf32>,
        %swap3A_143 = vector.shape_cast %swap3A_142 : vector<1x16xf32> to vector<16xf32>
        %swap3A_144 = vector.shape_cast %add3A_139 : vector<16xf32> to vector<1x16xf32>
        tpu.vector_store %arg12[%swap3A_140, %swap3A_141], %swap3A_144 {strides = array<i32>} : memref<112x128xf32, #tpu.memory_space<vmem>>, vector<1x16xf32>,
        %get3A_145 = arith.index_cast %add3A_118 : i32 to index
        %get3A_146 = arith.constant 32 : index
        %get3A_147 = tpu.vector_load %arg8[%get3A_145, %get3A_146] {strides = array<i32>} : memref<112x128xf32, #tpu.memory_space<vmem>>, vector<1x16xf32>,
        %get3A_148 = vector.shape_cast %get3A_147 : vector<1x16xf32> to vector<16xf32>
        %get3A_149 = arith.index_cast %add3A_118 : i32 to index
        %get3A_150 = arith.constant 32 : index
        %get3A_151 = tpu.vector_load %arg10[%get3A_149, %get3A_150] {strides = array<i32>} : memref<112x128xf32, #tpu.memory_space<vmem>>, vector<1x16xf32>,
        %get3A_152 = vector.shape_cast %get3A_151 : vector<1x16xf32> to vector<16xf32>
        %add3A_153 = arith.addf %get3A_148, %get3A_152 : vector<16xf32>
        %swap3A_154 = arith.index_cast %add3A_118 : i32 to index
        %swap3A_155 = arith.constant 32 : index
        %swap3A_156 = tpu.vector_load %arg12[%swap3A_154, %swap3A_155] {strides = array<i32>} : memref<112x128xf32, #tpu.memory_space<vmem>>, vector<1x16xf32>,
        %swap3A_157 = vector.shape_cast %swap3A_156 : vector<1x16xf32> to vector<16xf32>
        %swap3A_158 = vector.shape_cast %add3A_153 : vector<16xf32> to vector<1x16xf32>
        tpu.vector_store %arg12[%swap3A_154, %swap3A_155], %swap3A_158 {strides = array<i32>} : memref<112x128xf32, #tpu.memory_space<vmem>>, vector<1x16xf32>,
        %get3A_159 = arith.index_cast %add3A_118 : i32 to index
        %get3A_160 = arith.constant 48 : index
        %get3A_161 = tpu.vector_load %arg8[%get3A_159, %get3A_160] {strides = array<i32>} : memref<112x128xf32, #tpu.memory_space<vmem>>, vector<1x16xf32>,
        %get3A_162 = vector.shape_cast %get3A_161 : vector<1x16xf32> to vector<16xf32>
        %get3A_163 = arith.index_cast %add3A_118 : i32 to index
        %get3A_164 = arith.constant 48 : index
        %get3A_165 = tpu.vector_load %arg10[%get3A_163, %get3A_164] {strides = array<i32>} : memref<112x128xf32, #tpu.memory_space<vmem>>, vector<1x16xf32>,
        %get3A_166 = vector.shape_cast %get3A_165 : vector<1x16xf32> to vector<16xf32>
        %add3A_167 = arith.addf %get3A_162, %get3A_166 : vector<16xf32>
        %swap3A_168 = arith.index_cast %add3A_118 : i32 to index
        %swap3A_169 = arith.constant 48 : index
        %swap3A_170 = tpu.vector_load %arg12[%swap3A_168, %swap3A_169] {strides = array<i32>} : memref<112x128xf32, #tpu.memory_space<vmem>>, vector<1x16xf32>,
        %swap3A_171 = vector.shape_cast %swap3A_170 : vector<1x16xf32> to vector<16xf32>
        %swap3A_172 = vector.shape_cast %add3A_167 : vector<16xf32> to vector<1x16xf32>
        tpu.vector_store %arg12[%swap3A_168, %swap3A_169], %swap3A_172 {strides = array<i32>} : memref<112x128xf32, #tpu.memory_space<vmem>>, vector<1x16xf32>,
        %get3A_173 = arith.index_cast %add3A_118 : i32 to index
        %get3A_174 = arith.constant 64 : index
        %get3A_175 = tpu.vector_load %arg8[%get3A_173, %get3A_174] {strides = array<i32>} : memref<112x128xf32, #tpu.memory_space<vmem>>, vector<1x16xf32>,
        %get3A_176 = vector.shape_cast %get3A_175 : vector<1x16xf32> to vector<16xf32>
        %get3A_177 = arith.index_cast %add3A_118 : i32 to index
        %get3A_178 = arith.constant 64 : index
        %get3A_179 = tpu.vector_load %arg10[%get3A_177, %get3A_178] {strides = array<i32>} : memref<112x128xf32, #tpu.memory_space<vmem>>, vector<1x16xf32>,
        %get3A_180 = vector.shape_cast %get3A_179 : vector<1x16xf32> to vector<16xf32>
        %add3A_181 = arith.addf %get3A_176, %get3A_180 : vector<16xf32>
        %swap3A_182 = arith.index_cast %add3A_118 : i32 to index
        %swap3A_183 = arith.constant 64 : index
        %swap3A_184 = tpu.vector_load %arg12[%swap3A_182, %swap3A_183] {strides = array<i32>} : memref<112x128xf32, #tpu.memory_space<vmem>>, vector<1x16xf32>,
        %swap3A_185 = vector.shape_cast %swap3A_184 : vector<1x16xf32> to vector<16xf32>
        %swap3A_186 = vector.shape_cast %add3A_181 : vector<16xf32> to vector<1x16xf32>
        tpu.vector_store %arg12[%swap3A_182, %swap3A_183], %swap3A_186 {strides = array<i32>} : memref<112x128xf32, #tpu.memory_space<vmem>>, vector<1x16xf32>,
        %get3A_187 = arith.index_cast %add3A_118 : i32 to index
        %get3A_188 = arith.constant 80 : index
        %get3A_189 = tpu.vector_load %arg8[%get3A_187, %get3A_188] {strides = array<i32>} : memref<112x128xf32, #tpu.memory_space<vmem>>, vector<1x16xf32>,
        %get3A_190 = vector.shape_cast %get3A_189 : vector<1x16xf32> to vector<16xf32>
        %get3A_191 = arith.index_cast %add3A_118 : i32 to index
        %get3A_192 = arith.constant 80 : index
        %get3A_193 = tpu.vector_load %arg10[%get3A_191, %get3A_192] {strides = array<i32>} : memref<112x128xf32, #tpu.memory_space<vmem>>, vector<1x16xf32>,
        %get3A_194 = vector.shape_cast %get3A_193 : vector<1x16xf32> to vector<16xf32>
        %add3A_195 = arith.addf %get3A_190, %get3A_194 : vector<16xf32>
        %swap3A_196 = arith.index_cast %add3A_118 : i32 to index
        %swap3A_197 = arith.constant 80 : index
        %swap3A_198 = tpu.vector_load %arg12[%swap3A_196, %swap3A_197] {strides = array<i32>} : memref<112x128xf32, #tpu.memory_space<vmem>>, vector<1x16xf32>,
        %swap3A_199 = vector.shape_cast %swap3A_198 : vector<1x16xf32> to vector<16xf32>
        %swap3A_200 = vector.shape_cast %add3A_195 : vector<16xf32> to vector<1x16xf32>
        tpu.vector_store %arg12[%swap3A_196, %swap3A_197], %swap3A_200 {strides = array<i32>} : memref<112x128xf32, #tpu.memory_space<vmem>>, vector<1x16xf32>,
        %get3A_201 = arith.index_cast %add3A_118 : i32 to index
        %get3A_202 = arith.constant 96 : index
        %get3A_203 = tpu.vector_load %arg8[%get3A_201, %get3A_202] {strides = array<i32>} : memref<112x128xf32, #tpu.memory_space<vmem>>, vector<1x16xf32>,
        %get3A_204 = vector.shape_cast %get3A_203 : vector<1x16xf32> to vector<16xf32>
        %get3A_205 = arith.index_cast %add3A_118 : i32 to index
        %get3A_206 = arith.constant 96 : index
        %get3A_207 = tpu.vector_load %arg10[%get3A_205, %get3A_206] {strides = array<i32>} : memref<112x128xf32, #tpu.memory_space<vmem>>, vector<1x16xf32>,
        %get3A_208 = vector.shape_cast %get3A_207 : vector<1x16xf32> to vector<16xf32>
        %add3A_209 = arith.addf %get3A_204, %get3A_208 : vector<16xf32>
        %swap3A_210 = arith.index_cast %add3A_118 : i32 to index
        %swap3A_211 = arith.constant 96 : index
        %swap3A_212 = tpu.vector_load %arg12[%swap3A_210, %swap3A_211] {strides = array<i32>} : memref<112x128xf32, #tpu.memory_space<vmem>>, vector<1x16xf32>,
        %swap3A_213 = vector.shape_cast %swap3A_212 : vector<1x16xf32> to vector<16xf32>
        %swap3A_214 = vector.shape_cast %add3A_209 : vector<16xf32> to vector<1x16xf32>
        tpu.vector_store %arg12[%swap3A_210, %swap3A_211], %swap3A_214 {strides = array<i32>} : memref<112x128xf32, #tpu.memory_space<vmem>>, vector<1x16xf32>,
        %get3A_215 = arith.index_cast %add3A_118 : i32 to index
        %get3A_216 = arith.constant 112 : index
        %get3A_217 = tpu.vector_load %arg8[%get3A_215, %get3A_216] {strides = array<i32>} : memref<112x128xf32, #tpu.memory_space<vmem>>, vector<1x16xf32>,
        %get3A_218 = vector.shape_cast %get3A_217 : vector<1x16xf32> to vector<16xf32>
        %get3A_219 = arith.index_cast %add3A_118 : i32 to index
        %get3A_220 = arith.constant 112 : index
        %get3A_221 = tpu.vector_load %arg10[%get3A_219, %get3A_220] {strides = array<i32>} : memref<112x128xf32, #tpu.memory_space<vmem>>, vector<1x16xf32>,
        %get3A_222 = vector.shape_cast %get3A_221 : vector<1x16xf32> to vector<16xf32>
        %add3A_223 = arith.addf %get3A_218, %get3A_222 : vector<16xf32>
        %swap3A_224 = arith.index_cast %add3A_118 : i32 to index
        %swap3A_225 = arith.constant 112 : index
        %swap3A_226 = tpu.vector_load %arg12[%swap3A_224, %swap3A_225] {strides = array<i32>} : memref<112x128xf32, #tpu.memory_space<vmem>>, vector<1x16xf32>,
        %swap3A_227 = vector.shape_cast %swap3A_226 : vector<1x16xf32> to vector<16xf32>
        %swap3A_228 = vector.shape_cast %add3A_223 : vector<16xf32> to vector<1x16xf32>
        tpu.vector_store %arg12[%swap3A_224, %swap3A_225], %swap3A_228 {strides = array<i32>} : memref<112x128xf32, #tpu.memory_space<vmem>>, vector<1x16xf32>,
        %mul3A_229 = arith.constant 4 : i32
        %mul3A_230 = arith.muli %scan3A_114, %mul3A_229 : i32
        %add3A_231 = arith.constant 1 : i32
        %add3A_232 = arith.addi %mul3A_230, %add3A_231 : i32
        %get3A_233 = arith.index_cast %add3A_232 : i32 to index
        %get3A_234 = arith.constant 0 : index
        %get3A_235 = tpu.vector_load %arg8[%get3A_233, %get3A_234] {strides = array<i32>} : memref<112x128xf32, #tpu.memory_space<vmem>>, vector<1x16xf32>,
        %get3A_236 = vector.shape_cast %get3A_235 : vector<1x16xf32> to vector<16xf32>
        %get3A_237 = arith.index_cast %add3A_232 : i32 to index
        %get3A_238 = arith.constant 0 : index
        %get3A_239 = tpu.vector_load %arg10[%get3A_237, %get3A_238] {strides = array<i32>} : memref<112x128xf32, #tpu.memory_space<vmem>>, vector<1x16xf32>,
        %get3A_240 = vector.shape_cast %get3A_239 : vector<1x16xf32> to vector<16xf32>
        %add3A_241 = arith.addf %get3A_236, %get3A_240 : vector<16xf32>
        %swap3A_242 = arith.index_cast %add3A_232 : i32 to index
        %swap3A_243 = arith.constant 0 : index
        %swap3A_244 = tpu.vector_load %arg12[%swap3A_242, %swap3A_243] {strides = array<i32>} : memref<112x128xf32, #tpu.memory_space<vmem>>, vector<1x16xf32>,
        %swap3A_245 = vector.shape_cast %swap3A_244 : vector<1x16xf32> to vector<16xf32>
        %swap3A_246 = vector.shape_cast %add3A_241 : vector<16xf32> to vector<1x16xf32>
        tpu.vector_store %arg12[%swap3A_242, %swap3A_243], %swap3A_246 {strides = array<i32>} : memref<112x128xf32, #tpu.memory_space<vmem>>, vector<1x16xf32>,
        %get3A_247 = arith.index_cast %add3A_232 : i32 to index
        %get3A_248 = arith.constant 16 : index
        %get3A_249 = tpu.vector_load %arg8[%get3A_247, %get3A_248] {strides = array<i32>} : memref<112x128xf32, #tpu.memory_space<vmem>>, vector<1x16xf32>,
        %get3A_250 = vector.shape_cast %get3A_249 : vector<1x16xf32> to vector<16xf32>
        %get3A_251 = arith.index_cast %add3A_232 : i32 to index
        %get3A_252 = arith.constant 16 : index
        %get3A_253 = tpu.vector_load %arg10[%get3A_251, %get3A_252] {strides = array<i32>} : memref<112x128xf32, #tpu.memory_space<vmem>>, vector<1x16xf32>,
        %get3A_254 = vector.shape_cast %get3A_253 : vector<1x16xf32> to vector<16xf32>
        %add3A_255 = arith.addf %get3A_250, %get3A_254 : vector<16xf32>
        %swap3A_256 = arith.index_cast %add3A_232 : i32 to index
        %swap3A_257 = arith.constant 16 : index
        %swap3A_258 = tpu.vector_load %arg12[%swap3A_256, %swap3A_257] {strides = array<i32>} : memref<112x128xf32, #tpu.memory_space<vmem>>, vector<1x16xf32>,
        %swap3A_259 = vector.shape_cast %swap3A_258 : vector<1x16xf32> to vector<16xf32>
        %swap3A_260 = vector.shape_cast %add3A_255 : vector<16xf32> to vector<1x16xf32>
        tpu.vector_store %arg12[%swap3A_256, %swap3A_257], %swap3A_260 {strides = array<i32>} : memref<112x128xf32, #tpu.memory_space<vmem>>, vector<1x16xf32>,
        %get3A_261 = arith.index_cast %add3A_232 : i32 to index
        %get3A_262 = arith.constant 32 : index
        %get3A_263 = tpu.vector_load %arg8[%get3A_261, %get3A_262] {strides = array<i32>} : memref<112x128xf32, #tpu.memory_space<vmem>>, vector<1x16xf32>,
        %get3A_264 = vector.shape_cast %get3A_263 : vector<1x16xf32> to vector<16xf32>
        %get3A_265 = arith.index_cast %add3A_232 : i32 to index
        %get3A_266 = arith.constant 32 : index
        %get3A_267 = tpu.vector_load %arg10[%get3A_265, %get3A_266] {strides = array<i32>} : memref<112x128xf32, #tpu.memory_space<vmem>>, vector<1x16xf32>,
        %get3A_268 = vector.shape_cast %get3A_267 : vector<1x16xf32> to vector<16xf32>
        %add3A_269 = arith.addf %get3A_264, %get3A_268 : vector<16xf32>
        %swap3A_270 = arith.index_cast %add3A_232 : i32 to index
        %swap3A_271 = arith.constant 32 : index
        %swap3A_272 = tpu.vector_load %arg12[%swap3A_270, %swap3A_271] {strides = array<i32>} : memref<112x128xf32, #tpu.memory_space<vmem>>, vector<1x16xf32>,
        %swap3A_273 = vector.shape_cast %swap3A_272 : vector<1x16xf32> to vector<16xf32>
        %swap3A_274 = vector.shape_cast %add3A_269 : vector<16xf32> to vector<1x16xf32>
        tpu.vector_store %arg12[%swap3A_270, %swap3A_271], %swap3A_274 {strides = array<i32>} : memref<112x128xf32, #tpu.memory_space<vmem>>, vector<1x16xf32>,
        %get3A_275 = arith.index_cast %add3A_232 : i32 to index
        %get3A_276 = arith.constant 48 : index
        %get3A_277 = tpu.vector_load %arg8[%get3A_275, %get3A_276] {strides = array<i32>} : memref<112x128xf32, #tpu.memory_space<vmem>>, vector<1x16xf32>,
        %get3A_278 = vector.shape_cast %get3A_277 : vector<1x16xf32> to vector<16xf32>
        %get3A_279 = arith.index_cast %add3A_232 : i32 to index
        %get3A_280 = arith.constant 48 : index
        %get3A_281 = tpu.vector_load %arg10[%get3A_279, %get3A_280] {strides = array<i32>} : memref<112x128xf32, #tpu.memory_space<vmem>>, vector<1x16xf32>,
        %get3A_282 = vector.shape_cast %get3A_281 : vector<1x16xf32> to vector<16xf32>
        %add3A_283 = arith.addf %get3A_278, %get3A_282 : vector<16xf32>
        %swap3A_284 = arith.index_cast %add3A_232 : i32 to index
        %swap3A_285 = arith.constant 48 : index
        %swap3A_286 = tpu.vector_load %arg12[%swap3A_284, %swap3A_285] {strides = array<i32>} : memref<112x128xf32, #tpu.memory_space<vmem>>, vector<1x16xf32>,
        %swap3A_287 = vector.shape_cast %swap3A_286 : vector<1x16xf32> to vector<16xf32>
        %swap3A_288 = vector.shape_cast %add3A_283 : vector<16xf32> to vector<1x16xf32>
        tpu.vector_store %arg12[%swap3A_284, %swap3A_285], %swap3A_288 {strides = array<i32>} : memref<112x128xf32, #tpu.memory_space<vmem>>, vector<1x16xf32>,
        %get3A_289 = arith.index_cast %add3A_232 : i32 to index
        %get3A_290 = arith.constant 64 : index
        %get3A_291 = tpu.vector_load %arg8[%get3A_289, %get3A_290] {strides = array<i32>} : memref<112x128xf32, #tpu.memory_space<vmem>>, vector<1x16xf32>,
        %get3A_292 = vector.shape_cast %get3A_291 : vector<1x16xf32> to vector<16xf32>
        %get3A_293 = arith.index_cast %add3A_232 : i32 to index
        %get3A_294 = arith.constant 64 : index
        %get3A_295 = tpu.vector_load %arg10[%get3A_293, %get3A_294] {strides = array<i32>} : memref<112x128xf32, #tpu.memory_space<vmem>>, vector<1x16xf32>,
        %get3A_296 = vector.shape_cast %get3A_295 : vector<1x16xf32> to vector<16xf32>
        %add3A_297 = arith.addf %get3A_292, %get3A_296 : vector<16xf32>
        %swap3A_298 = arith.index_cast %add3A_232 : i32 to index
        %swap3A_299 = arith.constant 64 : index
        %swap3A_300 = tpu.vector_load %arg12[%swap3A_298, %swap3A_299] {strides = array<i32>} : memref<112x128xf32, #tpu.memory_space<vmem>>, vector<1x16xf32>,
        %swap3A_301 = vector.shape_cast %swap3A_300 : vector<1x16xf32> to vector<16xf32>
        %swap3A_302 = vector.shape_cast %add3A_297 : vector<16xf32> to vector<1x16xf32>
        tpu.vector_store %arg12[%swap3A_298, %swap3A_299], %swap3A_302 {strides = array<i32>} : memref<112x128xf32, #tpu.memory_space<vmem>>, vector<1x16xf32>,
        %get3A_303 = arith.index_cast %add3A_232 : i32 to index
        %get3A_304 = arith.constant 80 : index
        %get3A_305 = tpu.vector_load %arg8[%get3A_303, %get3A_304] {strides = array<i32>} : memref<112x128xf32, #tpu.memory_space<vmem>>, vector<1x16xf32>,
        %get3A_306 = vector.shape_cast %get3A_305 : vector<1x16xf32> to vector<16xf32>
        %get3A_307 = arith.index_cast %add3A_232 : i32 to index
        %get3A_308 = arith.constant 80 : index
        %get3A_309 = tpu.vector_load %arg10[%get3A_307, %get3A_308] {strides = array<i32>} : memref<112x128xf32, #tpu.memory_space<vmem>>, vector<1x16xf32>,
        %get3A_310 = vector.shape_cast %get3A_309 : vector<1x16xf32> to vector<16xf32>
        %add3A_311 = arith.addf %get3A_306, %get3A_310 : vector<16xf32>
        %swap3A_312 = arith.index_cast %add3A_232 : i32 to index
        %swap3A_313 = arith.constant 80 : index
        %swap3A_314 = tpu.vector_load %arg12[%swap3A_312, %swap3A_313] {strides = array<i32>} : memref<112x128xf32, #tpu.memory_space<vmem>>, vector<1x16xf32>,
        %swap3A_315 = vector.shape_cast %swap3A_314 : vector<1x16xf32> to vector<16xf32>
        %swap3A_316 = vector.shape_cast %add3A_311 : vector<16xf32> to vector<1x16xf32>
        tpu.vector_store %arg12[%swap3A_312, %swap3A_313], %swap3A_316 {strides = array<i32>} : memref<112x128xf32, #tpu.memory_space<vmem>>, vector<1x16xf32>,
        %get3A_317 = arith.index_cast %add3A_232 : i32 to index
        %get3A_318 = arith.constant 96 : index
        %get3A_319 = tpu.vector_load %arg8[%get3A_317, %get3A_318] {strides = array<i32>} : memref<112x128xf32, #tpu.memory_space<vmem>>, vector<1x16xf32>,
        %get3A_320 = vector.shape_cast %get3A_319 : vector<1x16xf32> to vector<16xf32>
        %get3A_321 = arith.index_cast %add3A_232 : i32 to index
        %get3A_322 = arith.constant 96 : index
        %get3A_323 = tpu.vector_load %arg10[%get3A_321, %get3A_322] {strides = array<i32>} : memref<112x128xf32, #tpu.memory_space<vmem>>, vector<1x16xf32>,
        %get3A_324 = vector.shape_cast %get3A_323 : vector<1x16xf32> to vector<16xf32>
        %add3A_325 = arith.addf %get3A_320, %get3A_324 : vector<16xf32>
        %swap3A_326 = arith.index_cast %add3A_232 : i32 to index
        %swap3A_327 = arith.constant 96 : index
        %swap3A_328 = tpu.vector_load %arg12[%swap3A_326, %swap3A_327] {strides = array<i32>} : memref<112x128xf32, #tpu.memory_space<vmem>>, vector<1x16xf32>,
        %swap3A_329 = vector.shape_cast %swap3A_328 : vector<1x16xf32> to vector<16xf32>
        %swap3A_330 = vector.shape_cast %add3A_325 : vector<16xf32> to vector<1x16xf32>
        tpu.vector_store %arg12[%swap3A_326, %swap3A_327], %swap3A_330 {strides = array<i32>} : memref<112x128xf32, #tpu.memory_space<vmem>>, vector<1x16xf32>,
        %get3A_331 = arith.index_cast %add3A_232 : i32 to index
        %get3A_332 = arith.constant 112 : index
        %get3A_333 = tpu.vector_load %arg8[%get3A_331, %get3A_332] {strides = array<i32>} : memref<112x128xf32, #tpu.memory_space<vmem>>, vector<1x16xf32>,
        %get3A_334 = vector.shape_cast %get3A_333 : vector<1x16xf32> to vector<16xf32>
        %get3A_335 = arith.index_cast %add3A_232 : i32 to index
        %get3A_336 = arith.constant 112 : index
        %get3A_337 = tpu.vector_load %arg10[%get3A_335, %get3A_336] {strides = array<i32>} : memref<112x128xf32, #tpu.memory_space<vmem>>, vector<1x16xf32>,
        %get3A_338 = vector.shape_cast %get3A_337 : vector<1x16xf32> to vector<16xf32>
        %add3A_339 = arith.addf %get3A_334, %get3A_338 : vector<16xf32>
        %swap3A_340 = arith.index_cast %add3A_232 : i32 to index
        %swap3A_341 = arith.constant 112 : index
        %swap3A_342 = tpu.vector_load %arg12[%swap3A_340, %swap3A_341] {strides = array<i32>} : memref<112x128xf32, #tpu.memory_space<vmem>>, vector<1x16xf32>,
        %swap3A_343 = vector.shape_cast %swap3A_342 : vector<1x16xf32> to vector<16xf32>
        %swap3A_344 = vector.shape_cast %add3A_339 : vector<16xf32> to vector<1x16xf32>
        tpu.vector_store %arg12[%swap3A_340, %swap3A_341], %swap3A_344 {strides = array<i32>} : memref<112x128xf32, #tpu.memory_space<vmem>>, vector<1x16xf32>,
        %mul3A_345 = arith.constant 4 : i32
        %mul3A_346 = arith.muli %scan3A_114, %mul3A_345 : i32
        %add3A_347 = arith.constant 2 : i32
        %add3A_348 = arith.addi %mul3A_346, %add3A_347 : i32
        %get3A_349 = arith.index_cast %add3A_348 : i32 to index
        %get3A_350 = arith.constant 0 : index
        %get3A_351 = tpu.vector_load %arg8[%get3A_349, %get3A_350] {strides = array<i32>} : memref<112x128xf32, #tpu.memory_space<vmem>>, vector<1x16xf32>,
        %get3A_352 = vector.shape_cast %get3A_351 : vector<1x16xf32> to vector<16xf32>
        %get3A_353 = arith.index_cast %add3A_348 : i32 to index
        %get3A_354 = arith.constant 0 : index
        %get3A_355 = tpu.vector_load %arg10[%get3A_353, %get3A_354] {strides = array<i32>} : memref<112x128xf32, #tpu.memory_space<vmem>>, vector<1x16xf32>,
        %get3A_356 = vector.shape_cast %get3A_355 : vector<1x16xf32> to vector<16xf32>
        %add3A_357 = arith.addf %get3A_352, %get3A_356 : vector<16xf32>
        %swap3A_358 = arith.index_cast %add3A_348 : i32 to index
        %swap3A_359 = arith.constant 0 : index
        %swap3A_360 = tpu.vector_load %arg12[%swap3A_358, %swap3A_359] {strides = array<i32>} : memref<112x128xf32, #tpu.memory_space<vmem>>, vector<1x16xf32>,
        %swap3A_361 = vector.shape_cast %swap3A_360 : vector<1x16xf32> to vector<16xf32>
        %swap3A_362 = vector.shape_cast %add3A_357 : vector<16xf32> to vector<1x16xf32>
        tpu.vector_store %arg12[%swap3A_358, %swap3A_359], %swap3A_362 {strides = array<i32>} : memref<112x128xf32, #tpu.memory_space<vmem>>, vector<1x16xf32>,
        %get3A_363 = arith.index_cast %add3A_348 : i32 to index
        %get3A_364 = arith.constant 16 : index
        %get3A_365 = tpu.vector_load %arg8[%get3A_363, %get3A_364] {strides = array<i32>} : memref<112x128xf32, #tpu.memory_space<vmem>>, vector<1x16xf32>,
        %get3A_366 = vector.shape_cast %get3A_365 : vector<1x16xf32> to vector<16xf32>
        %get3A_367 = arith.index_cast %add3A_348 : i32 to index
        %get3A_368 = arith.constant 16 : index
        %get3A_369 = tpu.vector_load %arg10[%get3A_367, %get3A_368] {strides = array<i32>} : memref<112x128xf32, #tpu.memory_space<vmem>>, vector<1x16xf32>,
        %get3A_370 = vector.shape_cast %get3A_369 : vector<1x16xf32> to vector<16xf32>
        %add3A_371 = arith.addf %get3A_366, %get3A_370 : vector<16xf32>
        %swap3A_372 = arith.index_cast %add3A_348 : i32 to index
        %swap3A_373 = arith.constant 16 : index
        %swap3A_374 = tpu.vector_load %arg12[%swap3A_372, %swap3A_373] {strides = array<i32>} : memref<112x128xf32, #tpu.memory_space<vmem>>, vector<1x16xf32>,
        %swap3A_375 = vector.shape_cast %swap3A_374 : vector<1x16xf32> to vector<16xf32>
        %swap3A_376 = vector.shape_cast %add3A_371 : vector<16xf32> to vector<1x16xf32>
        tpu.vector_store %arg12[%swap3A_372, %swap3A_373], %swap3A_376 {strides = array<i32>} : memref<112x128xf32, #tpu.memory_space<vmem>>, vector<1x16xf32>,
        %get3A_377 = arith.index_cast %add3A_348 : i32 to index
        %get3A_378 = arith.constant 32 : index
        %get3A_379 = tpu.vector_load %arg8[%get3A_377, %get3A_378] {strides = array<i32>} : memref<112x128xf32, #tpu.memory_space<vmem>>, vector<1x16xf32>,
        %get3A_380 = vector.shape_cast %get3A_379 : vector<1x16xf32> to vector<16xf32>
        %get3A_381 = arith.index_cast %add3A_348 : i32 to index
        %get3A_382 = arith.constant 32 : index
        %get3A_383 = tpu.vector_load %arg10[%get3A_381, %get3A_382] {strides = array<i32>} : memref<112x128xf32, #tpu.memory_space<vmem>>, vector<1x16xf32>,
        %get3A_384 = vector.shape_cast %get3A_383 : vector<1x16xf32> to vector<16xf32>
        %add3A_385 = arith.addf %get3A_380, %get3A_384 : vector<16xf32>
        %swap3A_386 = arith.index_cast %add3A_348 : i32 to index
        %swap3A_387 = arith.constant 32 : index
        %swap3A_388 = tpu.vector_load %arg12[%swap3A_386, %swap3A_387] {strides = array<i32>} : memref<112x128xf32, #tpu.memory_space<vmem>>, vector<1x16xf32>,
        %swap3A_389 = vector.shape_cast %swap3A_388 : vector<1x16xf32> to vector<16xf32>
        %swap3A_390 = vector.shape_cast %add3A_385 : vector<16xf32> to vector<1x16xf32>
        tpu.vector_store %arg12[%swap3A_386, %swap3A_387], %swap3A_390 {strides = array<i32>} : memref<112x128xf32, #tpu.memory_space<vmem>>, vector<1x16xf32>,
        %get3A_391 = arith.index_cast %add3A_348 : i32 to index
        %get3A_392 = arith.constant 48 : index
        %get3A_393 = tpu.vector_load %arg8[%get3A_391, %get3A_392] {strides = array<i32>} : memref<112x128xf32, #tpu.memory_space<vmem>>, vector<1x16xf32>,
        %get3A_394 = vector.shape_cast %get3A_393 : vector<1x16xf32> to vector<16xf32>
        %get3A_395 = arith.index_cast %add3A_348 : i32 to index
        %get3A_396 = arith.constant 48 : index
        %get3A_397 = tpu.vector_load %arg10[%get3A_395, %get3A_396] {strides = array<i32>} : memref<112x128xf32, #tpu.memory_space<vmem>>, vector<1x16xf32>,
        %get3A_398 = vector.shape_cast %get3A_397 : vector<1x16xf32> to vector<16xf32>
        %add3A_399 = arith.addf %get3A_394, %get3A_398 : vector<16xf32>
        %swap3A_400 = arith.index_cast %add3A_348 : i32 to index
        %swap3A_401 = arith.constant 48 : index
        %swap3A_402 = tpu.vector_load %arg12[%swap3A_400, %swap3A_401] {strides = array<i32>} : memref<112x128xf32, #tpu.memory_space<vmem>>, vector<1x16xf32>,
        %swap3A_403 = vector.shape_cast %swap3A_402 : vector<1x16xf32> to vector<16xf32>
        %swap3A_404 = vector.shape_cast %add3A_399 : vector<16xf32> to vector<1x16xf32>
        tpu.vector_store %arg12[%swap3A_400, %swap3A_401], %swap3A_404 {strides = array<i32>} : memref<112x128xf32, #tpu.memory_space<vmem>>, vector<1x16xf32>,
        %get3A_405 = arith.index_cast %add3A_348 : i32 to index
        %get3A_406 = arith.constant 64 : index
        %get3A_407 = tpu.vector_load %arg8[%get3A_405, %get3A_406] {strides = array<i32>} : memref<112x128xf32, #tpu.memory_space<vmem>>, vector<1x16xf32>,
        %get3A_408 = vector.shape_cast %get3A_407 : vector<1x16xf32> to vector<16xf32>
        %get3A_409 = arith.index_cast %add3A_348 : i32 to index
        %get3A_410 = arith.constant 64 : index
        %get3A_411 = tpu.vector_load %arg10[%get3A_409, %get3A_410] {strides = array<i32>} : memref<112x128xf32, #tpu.memory_space<vmem>>, vector<1x16xf32>,
        %get3A_412 = vector.shape_cast %get3A_411 : vector<1x16xf32> to vector<16xf32>
        %add3A_413 = arith.addf %get3A_408, %get3A_412 : vector<16xf32>
        %swap3A_414 = arith.index_cast %add3A_348 : i32 to index
        %swap3A_415 = arith.constant 64 : index
        %swap3A_416 = tpu.vector_load %arg12[%swap3A_414, %swap3A_415] {strides = array<i32>} : memref<112x128xf32, #tpu.memory_space<vmem>>, vector<1x16xf32>,
        %swap3A_417 = vector.shape_cast %swap3A_416 : vector<1x16xf32> to vector<16xf32>
        %swap3A_418 = vector.shape_cast %add3A_413 : vector<16xf32> to vector<1x16xf32>
        tpu.vector_store %arg12[%swap3A_414, %swap3A_415], %swap3A_418 {strides = array<i32>} : memref<112x128xf32, #tpu.memory_space<vmem>>, vector<1x16xf32>,
        %get3A_419 = arith.index_cast %add3A_348 : i32 to index
        %get3A_420 = arith.constant 80 : index
        %get3A_421 = tpu.vector_load %arg8[%get3A_419, %get3A_420] {strides = array<i32>} : memref<112x128xf32, #tpu.memory_space<vmem>>, vector<1x16xf32>,
        %get3A_422 = vector.shape_cast %get3A_421 : vector<1x16xf32> to vector<16xf32>
        %get3A_423 = arith.index_cast %add3A_348 : i32 to index
        %get3A_424 = arith.constant 80 : index
        %get3A_425 = tpu.vector_load %arg10[%get3A_423, %get3A_424] {strides = array<i32>} : memref<112x128xf32, #tpu.memory_space<vmem>>, vector<1x16xf32>,
        %get3A_426 = vector.shape_cast %get3A_425 : vector<1x16xf32> to vector<16xf32>
        %add3A_427 = arith.addf %get3A_422, %get3A_426 : vector<16xf32>
        %swap3A_428 = arith.index_cast %add3A_348 : i32 to index
        %swap3A_429 = arith.constant 80 : index
        %swap3A_430 = tpu.vector_load %arg12[%swap3A_428, %swap3A_429] {strides = array<i32>} : memref<112x128xf32, #tpu.memory_space<vmem>>, vector<1x16xf32>,
        %swap3A_431 = vector.shape_cast %swap3A_430 : vector<1x16xf32> to vector<16xf32>
        %swap3A_432 = vector.shape_cast %add3A_427 : vector<16xf32> to vector<1x16xf32>
        tpu.vector_store %arg12[%swap3A_428, %swap3A_429], %swap3A_432 {strides = array<i32>} : memref<112x128xf32, #tpu.memory_space<vmem>>, vector<1x16xf32>,
        %get3A_433 = arith.index_cast %add3A_348 : i32 to index
        %get3A_434 = arith.constant 96 : index
        %get3A_435 = tpu.vector_load %arg8[%get3A_433, %get3A_434] {strides = array<i32>} : memref<112x128xf32, #tpu.memory_space<vmem>>, vector<1x16xf32>,
        %get3A_436 = vector.shape_cast %get3A_435 : vector<1x16xf32> to vector<16xf32>
        %get3A_437 = arith.index_cast %add3A_348 : i32 to index
        %get3A_438 = arith.constant 96 : index
        %get3A_439 = tpu.vector_load %arg10[%get3A_437, %get3A_438] {strides = array<i32>} : memref<112x128xf32, #tpu.memory_space<vmem>>, vector<1x16xf32>,
        %get3A_440 = vector.shape_cast %get3A_439 : vector<1x16xf32> to vector<16xf32>
        %add3A_441 = arith.addf %get3A_436, %get3A_440 : vector<16xf32>
        %swap3A_442 = arith.index_cast %add3A_348 : i32 to index
        %swap3A_443 = arith.constant 96 : index
        %swap3A_444 = tpu.vector_load %arg12[%swap3A_442, %swap3A_443] {strides = array<i32>} : memref<112x128xf32, #tpu.memory_space<vmem>>, vector<1x16xf32>,
        %swap3A_445 = vector.shape_cast %swap3A_444 : vector<1x16xf32> to vector<16xf32>
        %swap3A_446 = vector.shape_cast %add3A_441 : vector<16xf32> to vector<1x16xf32>
        tpu.vector_store %arg12[%swap3A_442, %swap3A_443], %swap3A_446 {strides = array<i32>} : memref<112x128xf32, #tpu.memory_space<vmem>>, vector<1x16xf32>,
        %get3A_447 = arith.index_cast %add3A_348 : i32 to index
        %get3A_448 = arith.constant 112 : index
        %get3A_449 = tpu.vector_load %arg8[%get3A_447, %get3A_448] {strides = array<i32>} : memref<112x128xf32, #tpu.memory_space<vmem>>, vector<1x16xf32>,
        %get3A_450 = vector.shape_cast %get3A_449 : vector<1x16xf32> to vector<16xf32>
        %get3A_451 = arith.index_cast %add3A_348 : i32 to index
        %get3A_452 = arith.constant 112 : index
        %get3A_453 = tpu.vector_load %arg10[%get3A_451, %get3A_452] {strides = array<i32>} : memref<112x128xf32, #tpu.memory_space<vmem>>, vector<1x16xf32>,
        %get3A_454 = vector.shape_cast %get3A_453 : vector<1x16xf32> to vector<16xf32>
        %add3A_455 = arith.addf %get3A_450, %get3A_454 : vector<16xf32>
        %swap3A_456 = arith.index_cast %add3A_348 : i32 to index
        %swap3A_457 = arith.constant 112 : index
        %swap3A_458 = tpu.vector_load %arg12[%swap3A_456, %swap3A_457] {strides = array<i32>} : memref<112x128xf32, #tpu.memory_space<vmem>>, vector<1x16xf32>,
        %swap3A_459 = vector.shape_cast %swap3A_458 : vector<1x16xf32> to vector<16xf32>
        %swap3A_460 = vector.shape_cast %add3A_455 : vector<16xf32> to vector<1x16xf32>
        tpu.vector_store %arg12[%swap3A_456, %swap3A_457], %swap3A_460 {strides = array<i32>} : memref<112x128xf32, #tpu.memory_space<vmem>>, vector<1x16xf32>,
        %mul3A_461 = arith.constant 4 : i32
        %mul3A_462 = arith.muli %scan3A_114, %mul3A_461 : i32
        %add3A_463 = arith.constant 3 : i32
        %add3A_464 = arith.addi %mul3A_462, %add3A_463 : i32
        %get3A_465 = arith.index_cast %add3A_464 : i32 to index
        %get3A_466 = arith.constant 0 : index
        %get3A_467 = tpu.vector_load %arg8[%get3A_465, %get3A_466] {strides = array<i32>} : memref<112x128xf32, #tpu.memory_space<vmem>>, vector<1x16xf32>,
        %get3A_468 = vector.shape_cast %get3A_467 : vector<1x16xf32> to vector<16xf32>
        %get3A_469 = arith.index_cast %add3A_464 : i32 to index
        %get3A_470 = arith.constant 0 : index
        %get3A_471 = tpu.vector_load %arg10[%get3A_469, %get3A_470] {strides = array<i32>} : memref<112x128xf32, #tpu.memory_space<vmem>>, vector<1x16xf32>,
        %get3A_472 = vector.shape_cast %get3A_471 : vector<1x16xf32> to vector<16xf32>
        %add3A_473 = arith.addf %get3A_468, %get3A_472 : vector<16xf32>
        %swap3A_474 = arith.index_cast %add3A_464 : i32 to index
        %swap3A_475 = arith.constant 0 : index
        %swap3A_476 = tpu.vector_load %arg12[%swap3A_474, %swap3A_475] {strides = array<i32>} : memref<112x128xf32, #tpu.memory_space<vmem>>, vector<1x16xf32>,
        %swap3A_477 = vector.shape_cast %swap3A_476 : vector<1x16xf32> to vector<16xf32>
        %swap3A_478 = vector.shape_cast %add3A_473 : vector<16xf32> to vector<1x16xf32>
        tpu.vector_store %arg12[%swap3A_474, %swap3A_475], %swap3A_478 {strides = array<i32>} : memref<112x128xf32, #tpu.memory_space<vmem>>, vector<1x16xf32>,
        %get3A_479 = arith.index_cast %add3A_464 : i32 to index
        %get3A_480 = arith.constant 16 : index
        %get3A_481 = tpu.vector_load %arg8[%get3A_479, %get3A_480] {strides = array<i32>} : memref<112x128xf32, #tpu.memory_space<vmem>>, vector<1x16xf32>,
        %get3A_482 = vector.shape_cast %get3A_481 : vector<1x16xf32> to vector<16xf32>
        %get3A_483 = arith.index_cast %add3A_464 : i32 to index
        %get3A_484 = arith.constant 16 : index
        %get3A_485 = tpu.vector_load %arg10[%get3A_483, %get3A_484] {strides = array<i32>} : memref<112x128xf32, #tpu.memory_space<vmem>>, vector<1x16xf32>,
        %get3A_486 = vector.shape_cast %get3A_485 : vector<1x16xf32> to vector<16xf32>
        %add3A_487 = arith.addf %get3A_482, %get3A_486 : vector<16xf32>
        %swap3A_488 = arith.index_cast %add3A_464 : i32 to index
        %swap3A_489 = arith.constant 16 : index
        %swap3A_490 = tpu.vector_load %arg12[%swap3A_488, %swap3A_489] {strides = array<i32>} : memref<112x128xf32, #tpu.memory_space<vmem>>, vector<1x16xf32>,
        %swap3A_491 = vector.shape_cast %swap3A_490 : vector<1x16xf32> to vector<16xf32>
        %swap3A_492 = vector.shape_cast %add3A_487 : vector<16xf32> to vector<1x16xf32>
        tpu.vector_store %arg12[%swap3A_488, %swap3A_489], %swap3A_492 {strides = array<i32>} : memref<112x128xf32, #tpu.memory_space<vmem>>, vector<1x16xf32>,
        %get3A_493 = arith.index_cast %add3A_464 : i32 to index
        %get3A_494 = arith.constant 32 : index
        %get3A_495 = tpu.vector_load %arg8[%get3A_493, %get3A_494] {strides = array<i32>} : memref<112x128xf32, #tpu.memory_space<vmem>>, vector<1x16xf32>,
        %get3A_496 = vector.shape_cast %get3A_495 : vector<1x16xf32> to vector<16xf32>
        %get3A_497 = arith.index_cast %add3A_464 : i32 to index
        %get3A_498 = arith.constant 32 : index
        %get3A_499 = tpu.vector_load %arg10[%get3A_497, %get3A_498] {strides = array<i32>} : memref<112x128xf32, #tpu.memory_space<vmem>>, vector<1x16xf32>,
        %get3A_500 = vector.shape_cast %get3A_499 : vector<1x16xf32> to vector<16xf32>
        %add3A_501 = arith.addf %get3A_496, %get3A_500 : vector<16xf32>
        %swap3A_502 = arith.index_cast %add3A_464 : i32 to index
        %swap3A_503 = arith.constant 32 : index
        %swap3A_504 = tpu.vector_load %arg12[%swap3A_502, %swap3A_503] {strides = array<i32>} : memref<112x128xf32, #tpu.memory_space<vmem>>, vector<1x16xf32>,
        %swap3A_505 = vector.shape_cast %swap3A_504 : vector<1x16xf32> to vector<16xf32>
        %swap3A_506 = vector.shape_cast %add3A_501 : vector<16xf32> to vector<1x16xf32>
        tpu.vector_store %arg12[%swap3A_502, %swap3A_503], %swap3A_506 {strides = array<i32>} : memref<112x128xf32, #tpu.memory_space<vmem>>, vector<1x16xf32>,
        %get3A_507 = arith.index_cast %add3A_464 : i32 to index
        %get3A_508 = arith.constant 48 : index
        %get3A_509 = tpu.vector_load %arg8[%get3A_507, %get3A_508] {strides = array<i32>} : memref<112x128xf32, #tpu.memory_space<vmem>>, vector<1x16xf32>,
        %get3A_510 = vector.shape_cast %get3A_509 : vector<1x16xf32> to vector<16xf32>
        %get3A_511 = arith.index_cast %add3A_464 : i32 to index
        %get3A_512 = arith.constant 48 : index
        %get3A_513 = tpu.vector_load %arg10[%get3A_511, %get3A_512] {strides = array<i32>} : memref<112x128xf32, #tpu.memory_space<vmem>>, vector<1x16xf32>,
        %get3A_514 = vector.shape_cast %get3A_513 : vector<1x16xf32> to vector<16xf32>
        %add3A_515 = arith.addf %get3A_510, %get3A_514 : vector<16xf32>
        %swap3A_516 = arith.index_cast %add3A_464 : i32 to index
        %swap3A_517 = arith.constant 48 : index
        %swap3A_518 = tpu.vector_load %arg12[%swap3A_516, %swap3A_517] {strides = array<i32>} : memref<112x128xf32, #tpu.memory_space<vmem>>, vector<1x16xf32>,
        %swap3A_519 = vector.shape_cast %swap3A_518 : vector<1x16xf32> to vector<16xf32>
        %swap3A_520 = vector.shape_cast %add3A_515 : vector<16xf32> to vector<1x16xf32>
        tpu.vector_store %arg12[%swap3A_516, %swap3A_517], %swap3A_520 {strides = array<i32>} : memref<112x128xf32, #tpu.memory_space<vmem>>, vector<1x16xf32>,
        %get3A_521 = arith.index_cast %add3A_464 : i32 to index
        %get3A_522 = arith.constant 64 : index
        %get3A_523 = tpu.vector_load %arg8[%get3A_521, %get3A_522] {strides = array<i32>} : memref<112x128xf32, #tpu.memory_space<vmem>>, vector<1x16xf32>,
        %get3A_524 = vector.shape_cast %get3A_523 : vector<1x16xf32> to vector<16xf32>
        %get3A_525 = arith.index_cast %add3A_464 : i32 to index
        %get3A_526 = arith.constant 64 : index
        %get3A_527 = tpu.vector_load %arg10[%get3A_525, %get3A_526] {strides = array<i32>} : memref<112x128xf32, #tpu.memory_space<vmem>>, vector<1x16xf32>,
        %get3A_528 = vector.shape_cast %get3A_527 : vector<1x16xf32> to vector<16xf32>
        %add3A_529 = arith.addf %get3A_524, %get3A_528 : vector<16xf32>
        %swap3A_530 = arith.index_cast %add3A_464 : i32 to index
        %swap3A_531 = arith.constant 64 : index
        %swap3A_532 = tpu.vector_load %arg12[%swap3A_530, %swap3A_531] {strides = array<i32>} : memref<112x128xf32, #tpu.memory_space<vmem>>, vector<1x16xf32>,
        %swap3A_533 = vector.shape_cast %swap3A_532 : vector<1x16xf32> to vector<16xf32>
        %swap3A_534 = vector.shape_cast %add3A_529 : vector<16xf32> to vector<1x16xf32>
        tpu.vector_store %arg12[%swap3A_530, %swap3A_531], %swap3A_534 {strides = array<i32>} : memref<112x128xf32, #tpu.memory_space<vmem>>, vector<1x16xf32>,
        %get3A_535 = arith.index_cast %add3A_464 : i32 to index
        %get3A_536 = arith.constant 80 : index
        %get3A_537 = tpu.vector_load %arg8[%get3A_535, %get3A_536] {strides = array<i32>} : memref<112x128xf32, #tpu.memory_space<vmem>>, vector<1x16xf32>,
        %get3A_538 = vector.shape_cast %get3A_537 : vector<1x16xf32> to vector<16xf32>
        %get3A_539 = arith.index_cast %add3A_464 : i32 to index
        %get3A_540 = arith.constant 80 : index
        %get3A_541 = tpu.vector_load %arg10[%get3A_539, %get3A_540] {strides = array<i32>} : memref<112x128xf32, #tpu.memory_space<vmem>>, vector<1x16xf32>,
        %get3A_542 = vector.shape_cast %get3A_541 : vector<1x16xf32> to vector<16xf32>
        %add3A_543 = arith.addf %get3A_538, %get3A_542 : vector<16xf32>
        %swap3A_544 = arith.index_cast %add3A_464 : i32 to index
        %swap3A_545 = arith.constant 80 : index
        %swap3A_546 = tpu.vector_load %arg12[%swap3A_544, %swap3A_545] {strides = array<i32>} : memref<112x128xf32, #tpu.memory_space<vmem>>, vector<1x16xf32>,
        %swap3A_547 = vector.shape_cast %swap3A_546 : vector<1x16xf32> to vector<16xf32>
        %swap3A_548 = vector.shape_cast %add3A_543 : vector<16xf32> to vector<1x16xf32>
        tpu.vector_store %arg12[%swap3A_544, %swap3A_545], %swap3A_548 {strides = array<i32>} : memref<112x128xf32, #tpu.memory_space<vmem>>, vector<1x16xf32>,
        %get3A_549 = arith.index_cast %add3A_464 : i32 to index
        %get3A_550 = arith.constant 96 : index
        %get3A_551 = tpu.vector_load %arg8[%get3A_549, %get3A_550] {strides = array<i32>} : memref<112x128xf32, #tpu.memory_space<vmem>>, vector<1x16xf32>,
        %get3A_552 = vector.shape_cast %get3A_551 : vector<1x16xf32> to vector<16xf32>
        %get3A_553 = arith.index_cast %add3A_464 : i32 to index
        %get3A_554 = arith.constant 96 : index
        %get3A_555 = tpu.vector_load %arg10[%get3A_553, %get3A_554] {strides = array<i32>} : memref<112x128xf32, #tpu.memory_space<vmem>>, vector<1x16xf32>,
        %get3A_556 = vector.shape_cast %get3A_555 : vector<1x16xf32> to vector<16xf32>
        %add3A_557 = arith.addf %get3A_552, %get3A_556 : vector<16xf32>
        %swap3A_558 = arith.index_cast %add3A_464 : i32 to index
        %swap3A_559 = arith.constant 96 : index
        %swap3A_560 = tpu.vector_load %arg12[%swap3A_558, %swap3A_559] {strides = array<i32>} : memref<112x128xf32, #tpu.memory_space<vmem>>, vector<1x16xf32>,
        %swap3A_561 = vector.shape_cast %swap3A_560 : vector<1x16xf32> to vector<16xf32>
        %swap3A_562 = vector.shape_cast %add3A_557 : vector<16xf32> to vector<1x16xf32>
        tpu.vector_store %arg12[%swap3A_558, %swap3A_559], %swap3A_562 {strides = array<i32>} : memref<112x128xf32, #tpu.memory_space<vmem>>, vector<1x16xf32>,
        %get3A_563 = arith.index_cast %add3A_464 : i32 to index
        %get3A_564 = arith.constant 112 : index
        %get3A_565 = tpu.vector_load %arg8[%get3A_563, %get3A_564] {strides = array<i32>} : memref<112x128xf32, #tpu.memory_space<vmem>>, vector<1x16xf32>,
        %get3A_566 = vector.shape_cast %get3A_565 : vector<1x16xf32> to vector<16xf32>
        %get3A_567 = arith.index_cast %add3A_464 : i32 to index
        %get3A_568 = arith.constant 112 : index
        %get3A_569 = tpu.vector_load %arg10[%get3A_567, %get3A_568] {strides = array<i32>} : memref<112x128xf32, #tpu.memory_space<vmem>>, vector<1x16xf32>,
        %get3A_570 = vector.shape_cast %get3A_569 : vector<1x16xf32> to vector<16xf32>
        %add3A_571 = arith.addf %get3A_566, %get3A_570 : vector<16xf32>
        %swap3A_572 = arith.index_cast %add3A_464 : i32 to index
        %swap3A_573 = arith.constant 112 : index
        %swap3A_574 = tpu.vector_load %arg12[%swap3A_572, %swap3A_573] {strides = array<i32>} : memref<112x128xf32, #tpu.memory_space<vmem>>, vector<1x16xf32>,
        %swap3A_575 = vector.shape_cast %swap3A_574 : vector<1x16xf32> to vector<16xf32>
        %swap3A_576 = vector.shape_cast %add3A_571 : vector<16xf32> to vector<1x16xf32>
        tpu.vector_store %arg12[%swap3A_572, %swap3A_573], %swap3A_576 {strides = array<i32>} : memref<112x128xf32, #tpu.memory_space<vmem>>, vector<1x16xf32>,
      }
      %scan3A_99 = arith.constant 28 : i32
      %add3A_100 = arith.constant 2 : i32
      %add3A_101 = arith.addi %add3A_78, %add3A_100 : i32
      %lt3A_102 = arith.constant 28 : i32
      %lt3A_103 = arith.cmpi slt, %add3A_101, %lt3A_102 : i32
      %convert_element_type3A_104 = arith.extui %lt3A_103 : i1 to i32
      %cond3A_105 = arith.constant 0 : i32
      %cond3A_106 = arith.cmpi ne, %convert_element_type3A_104, %cond3A_105 : i32
      scf.if %cond3A_106 {
        %add3A_114 = arith.constant 2 : i32
        %add3A_115 = arith.addi %add3A_78, %add3A_114 : i32
        %mul3A_116 = arith.constant 112 : i32
        %mul3A_117 = arith.muli %add3A_115, %mul3A_116 : i32
        %dma_start3A_118 = tpu.memref_slice %arg6[%mul3A_117] : memref<3136xi32, #tpu.memory_space<vmem>> -> memref<112xi32, #tpu.memory_space<vmem>>
        %dma_start3A_119 = arith.constant 0 : i32
        %dma_start3A_120 = arith.constant 0 : i32
        %dma_start3A_121 = tpu.memref_slice %arg3[%dma_start3A_119, %dma_start3A_120] : memref<100000x128xf32, #tpu.memory_space<hbm>> -> memref<100000x128xf32, #tpu.memory_space<hbm>>
        tpu.enqueue_indirect_dma source(%dma_start3A_121 : memref<100000x128xf32, #tpu.memory_space<hbm>>) target(%arg8 : memref<112x128xf32, #tpu.memory_space<vmem>>) offsets(%dma_start3A_118 : memref<112xi32, #tpu.memory_space<vmem>>) semaphore(%arg14 : memref<!tpu.dma_semaphore, #tpu.memory_space<semaphore_mem>>)
        %dma_start3A_122 = tpu.memref_slice %arg6[%mul3A_117] : memref<3136xi32, #tpu.memory_space<vmem>> -> memref<112xi32, #tpu.memory_space<vmem>>
        %dma_start3A_123 = arith.constant 0 : i32
        %dma_start3A_124 = arith.constant 0 : i32
        %dma_start3A_125 = tpu.memref_slice %arg2[%dma_start3A_123, %dma_start3A_124] : memref<100000x128xf32, #tpu.memory_space<hbm>> -> memref<100000x128xf32, #tpu.memory_space<hbm>>
        tpu.enqueue_indirect_dma source(%dma_start3A_125 : memref<100000x128xf32, #tpu.memory_space<hbm>>) target(%arg10 : memref<112x128xf32, #tpu.memory_space<vmem>>) offsets(%dma_start3A_122 : memref<112xi32, #tpu.memory_space<vmem>>) semaphore(%arg16 : memref<!tpu.dma_semaphore, #tpu.memory_space<semaphore_mem>>)
      } else {
      }
      %mul3A_107 = arith.constant 112 : i32
      %mul3A_108 = arith.muli %add3A_78, %mul3A_107 : i32
      %add3A_109 = arith.addi %min3A_3, %mul3A_108 : i32
      %dma_start3A_110 = arith.constant 0 : i32
      %dma_start3A_111 = tpu.memref_slice %arg5[%add3A_109, %dma_start3A_110] : memref<100000x128xf32, #tpu.memory_space<hbm>> -> memref<112x128xf32, #tpu.memory_space<hbm>>
      %dma_start3A_112 = arith.constant 0 : i32
      %dma_start3A_113 = tpu.memref_slice %arg5[%add3A_109, %dma_start3A_112] : memref<100000x128xf32, #tpu.memory_space<hbm>> -> memref<112x128xf32, #tpu.memory_space<hbm>>
      tpu.enqueue_dma source(%arg12 : memref<112x128xf32, #tpu.memory_space<vmem>>) target(%dma_start3A_113 : memref<112x128xf32, #tpu.memory_space<hbm>>) target_semaphore(%arg18 : memref<!tpu.dma_semaphore, #tpu.memory_space<semaphore_mem>>)
    }
    %scan3A_27 = arith.constant 14 : i32
    %add3A_28 = arith.constant 2912 : i32
    %add3A_29 = arith.addi %min3A_3, %add3A_28 : i32
    %dma_wait3A = arith.constant 0 : i32
    %dma_wait3A_30 = tpu.memref_slice %arg5[%add3A_29, %dma_wait3A] : memref<100000x128xf32, #tpu.memory_space<hbm>> -> memref<112x128xf32, #tpu.memory_space<hbm>>
    %dma_wait3A_31 = arith.constant 0 : i32
    %dma_wait3A_32 = tpu.memref_slice %arg5[%add3A_29, %dma_wait3A_31] : memref<100000x128xf32, #tpu.memory_space<hbm>> -> memref<112x128xf32, #tpu.memory_space<hbm>>
    tpu.wait_dma2 semaphore(%arg17 : memref<!tpu.dma_semaphore, #tpu.memory_space<semaphore_mem>>) src(%arg11 : memref<112x128xf32, #tpu.memory_space<vmem>>) dst(%dma_wait3A_32 : memref<112x128xf32, #tpu.memory_space<hbm>>)
    %add3A_33 = arith.constant 3024 : i32
    %add3A_34 = arith.addi %min3A_3, %add3A_33 : i32
    %dma_wait3A_35 = arith.constant 0 : i32
    %dma_wait3A_36 = tpu.memref_slice %arg5[%add3A_34, %dma_wait3A_35] : memref<100000x128xf32, #tpu.memory_space<hbm>> -> memref<112x128xf32, #tpu.memory_space<hbm>>
    %dma_wait3A_37 = arith.constant 0 : i32
    %dma_wait3A_38 = tpu.memref_slice %arg5[%add3A_34, %dma_wait3A_37] : memref<100000x128xf32, #tpu.memory_space<hbm>> -> memref<112x128xf32, #tpu.memory_space<hbm>>
    tpu.wait_dma2 semaphore(%arg18 : memref<!tpu.dma_semaphore, #tpu.memory_space<semaphore_mem>>) src(%arg12 : memref<112x128xf32, #tpu.memory_space<vmem>>) dst(%dma_wait3A_38 : memref<112x128xf32, #tpu.memory_space<hbm>>)
    return
  }
}

</mosaic_0001>

<sc_bundles>
// kernel: kernel.3.cloned.1.call-start
scs
__scs_entry_jumppad:
0x0: {  	(pc) =	sbr.rel $0x88, $3  }
0x1: {  	(tag) =	ssettag $0x0;
	lr =	simm.s32 $0x1  }
0x2: {  	[smem:$0x3F9E] =	sst lr;
	_ =	strace $0xD0000000  }
0x3: {  	_ = 	snop  }
0x4: {  	_ = 	snop  }
0x5: {  	_ = 	snop  }
0x6: {  	_ = 	snop  }
0x7: {  	_ = 	snop  }
__scs_overlays_trampoline_lowered:
0x8: {  	[smem:$0x3FAD] =	sst s0  }
0x9: {  	[smem:$0x3FAE] =	sst s1  }
0xa: {  	[smem:$0x3FAF] =	sst s2  }
0xb: {  	[smem:$0x3FB0] =	sst s3  }
0xc: {  	[smem:$0x3FB1] =	sst s4  }
0xd: {  	[smem:$0x3FB2] =	sst s5  }
0xe: {  	[smem:$0x3FB3] =	sst s6  }
0xf: {  	[smem:$0x3FB4] =	sst s7  }
0x10: {  	[smem:$0x3FB5] =	sst s8  }
0x11: {  	[smem:$0x3FB6] =	sst s9;
	s0 =	simm.s32 @!p0 $0x0  }
0x12: {  	s1 =	sld [smem:$0x3F9C];
	s0 =	simm.s32 @p0 $0x1  }
0x13: {  	[smem:$0x3FB7] =	sst s0;
	s0 =	simm.s32 @!p1 $0x0  }
0x14: {  	s2 =	sld [smem:$0x3F9B];
	s0 =	simm.s32 @p1 $0x1  }
0x15: {  	[smem:$0x3FB8] =	sst s0;
	s0 =	simm.s32 @!p2 $0x0  }
0x16: {  	s3 =	sld [smem:$0x3FDB];
	s0 =	simm.s32 @p2 $0x1  }
0x17: {  	s4 =	simm.s32 $0x1BF5;
	[smem:$0x3FBA] =	sst s0  }
0x18: {  	s0 =	sld [smem:$0x3F9D];
	_ =	swait.ge [sflag:s4], $0x0  }
0x19: {  	s7 =	sld [smem:$0x3F9E]  }
0x1a: {  	s8 =	sadd.s32 $0xFFFFE003, lr  }
0x1b: {  	s9 =	sadd.s32 $0xFFFFFEF7, lr;
	s5 =	simm.s32 $0xFFFFFFFF;
	p2 =	slt.u32 s8, $0xFFFFF086  }
0x1c: {  	p1 =	slt.u32 s9, $0xF7A;
	s5 =	simm.s32 @!p2 $0x0  }
0x1d: {  	s5 =	simm.s32 @p1 $0x1;
	p0 =	seq.s32 s7, s2  }
0x1e: {  	s7 =	smul.u32 @!p0 $0xF7A, s2;
	p2 =	seq.s32 @!p0 s5, $0x0  }
0x1f: {  	s9 =	smul.u32 $0xF7A, s1;
	s8 =	simm.s32 @!p0 $0x1BF5;
	p2 =	por !p2, p0  }
0x20: {  	[sflag:s8] =	ssyncset.s32 @!p0 $0xFFFFF086;
	s6 =	sadd.s32 @!p0 s3, s7;
	s7 =	simm.s32 @!p0 $0x108  }
0x21: {  	s3 =	sadd.s32 s3, s9;
	s6 =	sadd.s32 @!p0 $0x88, s6;
	s7 =	simm.s32 @p2 $0x1082  }
0x22: {  	[simem:s7], [sflag:s8] =	dma.local @!p0 [hbm:s6], $0xF7A  }
0x23: {  	s9 =	sor.u32 $0xD0000000, s2;
	s6 =	simm.s32 $0x108;
	_ =	swait.ge @!p0 [sflag:s8], $0x0  }
0x24: {  	s3 =	sadd.s32 $0x88, s3;
	s6 =	simm.s32 @!p1 $0x1082;
	[sflag:s4] =	ssyncset.s32 $0xFFFFF086  }
0x25: {  	[simem:s6], [sflag:s4] =	dma.local [hbm:s3], $0xF7A  }
0x26: {  	[smem:$0x3F9E] =	sst s1;
	(tag) =	ssettag s2;
	_ =	strace s9  }
0x27: {  	s1 =	sld [smem:$0x3FAE]  }
0x28: {  	s2 =	sld [smem:$0x3FAF]  }
0x29: {  	s4 =	sld [smem:$0x3FB1]  }
0x2a: {  	p0 =	seq.s32 s5, $0x0;
	s5 =	sld [smem:$0x3FB2]  }
0x2b: {  	s6 =	sld [smem:$0x3FB3]  }
0x2c: {  	s7 =	sld [smem:$0x3FB4]  }
0x2d: {  	s3 =	simm.s32 $0x108;
	s8 =	sld [smem:$0x3FB5]  }
0x2e: {  	s3 =	simm.s32 @!p0 $0x1082;
	s9 =	sld [smem:$0x3FB6]  }
0x2f: {  	lr =	sadd.s32 s0, s3;
	s0 =	sld [smem:$0x3FAD]  }
0x30: {  	s3 =	sld [smem:$0x3FB0]  }
0x31: {  	[smem:$0x3FB9] =	sst s10  }
0x32: {  	s10 =	sld [smem:$0x3FB7];
	_ =	sdelay $0x3  }
0x33: {  	p0 =	seq.s32 s10, $0x1;
	s10 =	sld [smem:$0x3FB9];
	_ =	sdelay $0x3  }
0x34: {  	[smem:$0x3FB9] =	sst s10  }
0x35: {  	s10 =	sld [smem:$0x3FB8];
	_ =	sdelay $0x3  }
0x36: {  	p1 =	seq.s32 s10, $0x1;
	s10 =	sld [smem:$0x3FB9];
	_ =	sdelay $0x3  }
0x37: {  	[smem:$0x3FB9] =	sst s10  }
0x38: {  	s10 =	sld [smem:$0x3FBA]  }
0x39: {  	_ = 	snop;
	(pc) =	sbr.ind lr, $3  }
0x3a: {  	_ = 	snop  }
0x3b: {  	_ = 	snop  }
0x3c: {  	p2 =	seq.s32 s10, $0x1;
	s10 =	sld [smem:$0x3FB9]  }
0x3d: {  	_ =	shalt  }
0x3e: {  	_ =	shalt  }
0x3f: {  	_ =	shalt  }
0x40: {  	_ =	shalt  }
0x41: {  	_ =	shalt  }
0x42: {  	_ =	shalt  }
0x43: {  	_ =	shalt  }
0x44: {  	_ =	shalt  }
0x45: {  	_ =	shalt  }
0x46: {  	_ =	shalt  }
0x47: {  	_ =	shalt  }
0x48: {  	_ =	shalt  }
0x49: {  	_ =	shalt  }
0x4a: {  	_ =	shalt  }
0x4b: {  	_ =	shalt  }
0x4c: {  	_ =	shalt  }
0x4d: {  	_ =	shalt  }
0x4e: {  	_ =	shalt  }
0x4f: {  	_ =	shalt  }
0x50: {  	_ =	shalt  }
0x51: {  	_ =	shalt  }
0x52: {  	_ =	shalt  }
0x53: {  	_ =	shalt  }
0x54: {  	_ =	shalt  }
0x55: {  	_ =	shalt  }
0x56: {  	_ =	shalt  }
0x57: {  	_ =	shalt  }
0x58: {  	_ =	shalt  }
0x59: {  	_ =	shalt  }
0x5a: {  	_ =	shalt  }
0x5b: {  	_ =	shalt  }
0x5c: {  	_ =	shalt  }
0x5d: {  	_ =	shalt  }
0x5e: {  	_ =	shalt  }
0x5f: {  	_ =	shalt  }
0x60: {  	_ =	shalt  }
0x61: {  	_ =	shalt  }
0x62: {  	_ =	shalt  }
0x63: {  	_ =	shalt  }
0x64: {  	_ =	shalt  }
0x65: {  	_ =	shalt  }
0x66: {  	_ =	shalt  }
0x67: {  	_ =	shalt  }
0x68: {  	_ =	shalt  }
0x69: {  	_ =	shalt  }
0x6a: {  	_ =	shalt  }
0x6b: {  	_ =	shalt  }
0x6c: {  	_ =	shalt  }
0x6d: {  	_ =	shalt  }
0x6e: {  	_ =	shalt  }
0x6f: {  	_ =	shalt  }
0x70: {  	_ =	shalt  }
0x71: {  	_ =	shalt  }
0x72: {  	_ =	shalt  }
0x73: {  	_ =	shalt  }
0x74: {  	_ =	shalt  }
0x75: {  	_ =	shalt  }
0x76: {  	_ =	shalt  }
0x77: {  	_ =	shalt  }
0x78: {  	_ =	shalt  }
0x79: {  	_ =	shalt  }
0x7a: {  	_ =	shalt  }
0x7b: {  	_ =	shalt  }
0x7c: {  	_ =	shalt  }
0x7d: {  	_ =	shalt  }
0x7e: {  	_ =	shalt  }
0x7f: {  	_ =	shalt  }
0x80: {  	_ =	shalt  }
0x81: {  	_ =	shalt  }
0x82: {  	_ =	shalt  }
0x83: {  	_ =	shalt  }
0x84: {  	_ =	shalt  }
0x85: {  	_ =	shalt  }
0x86: {  	_ =	shalt  }
0x87: {  	_ =	shalt  }
.Lfunc_end0:
.L_simem_size_0:
called_computation_lowered:
.L_overlay_start_0:
0x88: {  	s2 =	sld [smem:$0x3FD9]  }
0x89: {  	s3 =	sld [smem:$0x3FFE];
	_ =	sdelay $0x1  }
0x8a: {  	s1 =	srdreg.scid  }
0x8b: {  	s0 =	sand.u32 $0x1, s1  }
0x8c: {  	s18 =	sshll.u32 s0, $0xA;
	s2 =	sadd.s32 s3, s2  }
0x8d: {  	s2 =	sadd.s32 s2, s18  }
0x8e: {  	[smem:$0x3FC5] =	sst s2  }
0x8f: {  	_ = 	snop  }
0x90: {  	s2 =	sld [smem:$0x3FC9]  }
0x91: {  	s19 =	sld [smem:$0x3FC8]  }
0x92: {  	s4 =	sld [smem:$0x3FC7]  }
0x93: {  	s5 =	sld [smem:$0x3FD0];
	(tm) =	ssettm $0x1  }
0x94: {  	s6 =	sld [smem:$0x3FFB];
	_ =	sdelay $0x3  }
0x95: {  	_ =	strace s6  }
0x96: {  	s6 =	sld [smem:$0x3FFC];
	_ =	sdelay $0x3  }
0x97: {  	_ =	strace s6  }
0x98: {  	s6 =	sld [smem:$0x3FFD];
	_ =	sdelay $0x3  }
0x99: {  	_ =	strace s6  }
0x9a: {  	_ =	strace $0x8FFFFFFF  }
0x9b: {  	s20 =	sld [smem:$0x3FDB];
	_ =	sdelay $0x1  }
0x9c: {  	s7 =	simm.s32 $_scs_section_size  }
0x9d: {  	s8 =	simm.s32 $_size__tile_overlayer_lowered;
	s9 =	simm.s32 $_tile_overlayer_lowered  }
0x9e: {  	s23 =	simm.s32 $0x1BFF;
	s22 =	sshll.u32 s9, $0x1;
	s6 =	sadd.s32 s7, s20  }
0x9f: {  	s10 =	simm.s32 $0x0;
	s21 =	sshll.u32 s8, $0x1;
	s8 =	sadd.s32 s22, s6  }
0xa0: {  	[timem:s10], [sflag:s23] =	dma.local [hbm:s8], s21  }
0xa1: {  	_ =	swait.ge [sflag:s23], s21  }
0xa2: {  	s7 =	ssub.s32 $0x0, s21;
	[sflag:s23] =	ssyncset.done $0x0  }
0xa3: {  	[sflag:s23] =	ssyncadd.s32 s7;
	_ =	sdelay $0x1  }
0xa4: {  	s24 =	simm.s32 $0x1B8B  }
0xa5: {  	_ =	swait.ge [sflag:s24], $0x1  }
0xa6: {  	[sflag:s24] =	ssyncset.done $0x0  }
0xa7: {  	s25 =	simm.s32 $0x1B8E;
	[sflag:s24] =	ssyncadd.s32 $0xFFFFFFFF  }
0xa8: {  	s26 =	simm.s32 $execute0_lowered;
	[smem:$0x3FD2] =	sst s25  }
0xa9: {  	s7 =	sshll.u32 s26, $0x1;
	_ =	strace $0x80000046;
	[dreg:$0x1] =	wrdreg $0xFFFFFFFF  }
0xaa: {  	s28 =	simm.s32 $_size_execute0_lowered;
	s6 =	sadd.s32 s6, s7;
	[dreg:$0x0] =	wrdreg $0x0  }
0xab: {  	s7 =	sshll.u32 s28, $0x1;
	[dreg:$0x2] =	wrdreg s6  }
0xac: {  	[dreg:$0x3] =	wrdreg s7  }
0xad: {  	[dreg:$0x4] =	wrdreg $0xC0  }
0xae: {  	_ =	task [dreg:s10], $0x5FFFF  }
0xaf: {  	[dreg:$0x1] =	wrdreg $0xFFFFFFFF  }
0xb0: {  	[dreg:$0x0] =	wrdreg $0x60  }
0xb1: {  	[dreg:$0x2] =	wrdreg s2  }
0xb2: {  	[dreg:$0x3] =	wrdreg s4  }
0xb3: {  	[dreg:$0x4] =	wrdreg s19  }
0xb4: {  	[dreg:$0x5] =	wrdreg s5  }
0xb5: {  	[dreg:$0x6] =	wrdreg $0x9  }
0xb6: {  	_ =	task.clear_ibuf [dreg:s10], $0x7FFFF;
	_ =	strace $0x90000046  }
0xb7: {  	s29 =	simm.s32 $0x9;
	_ =	strace $0x80000048  }
0xb8: {  	_ =	swait.ge [sflag:s29], $0x1  }
0xb9: {  	[sflag:s29] =	ssyncadd.s32 $0xFFFFFFFF  }
0xba: {  	_ =	strace $0x90000048  }
0xbb: {  	_ =	sfence  }
0xbc: {  	s30 =	sld [smem:$0x0];
	_ =	sdelay $0x2  }
0xbd: {  	s31 =	sshll.u32 s1, $0xD;
	s1 =	sshrl.u32 s1, $0x2  }
0xbe: {  	s3 =	sand.u32 $0x4000, s31;
	s1 =	sadd.s32 s1, s30  }
0xbf: {  	s0 =	sor.u32 s3, s0;
	s1 =	sshll.u32 s1, $0x11  }
0xc0: {  	s0 =	sor.u32 s1, s0  }
0xc1: {  	s0 =	sadd.s32 $0x8F2B, s0  }
0xc2: {  	[sflag:s0] =	ssyncadd.remote.s32 $0x1  }
0xc3: {  	_ =	sfence.sel $0xFFFF  }
0xc4: {  	[dreg:$0x0] =	wrdreg $0xFFFFFFFF;
	(pc) =	sbr.abs _section_cstart, $3  }
0xc5: {  	[dreg:$0x1] =	wrdreg $0xFFFFFFFF  }
0xc6: {  	_ =	task.clear_ibuf [dreg:s10], $0x2FFFF;
	_ =	strace $0x9FFFFFFF  }
0xc7: {  	(tm) =	ssettm $0x7FFFFFFF  }
tec
execute0_lowered:
.L_overlay_start_1:
0x0: {  	(tag) =	ssettag $0x1  }
0x1: {  	s1 =	rddreg [dreg:$0x0]  }
0x2: {  	s2 =	rddreg [dreg:$0x1]  }
0x3: {  	s3 =	srdreg.scid;
	s7 =	rddreg [dreg:$0x2]  }
0x4: {  	s0 =	stileid.u32;
	s4 =	rddreg [dreg:$0x3];
	s5 =	simm.s32 $0x0  }
0x5: {  	s11 =	simm.s32 $0x70;
	s12 =	simm.s32 $0xC80;
	s13 =	simm.s32 $0x7C80  }
0x6: {  	s14 =	simm.s32 $0x4480;
	s15 =	simm.s32 $0xB480;
	s16 =	simm.s32 $0x1  }
0x7: {  	s17 =	simm.s32 $0x3;
	s18 =	simm.s32 $0xEC80;
	s19 =	simm.s32 $0x2  }
0x8: {  	s20 =	simm.s32 $0x4;
	s6 =	sand.u32 $0x1, s3;
	s31 =	sshll.u32 s0, $0x1  }
0x9: {  	s21 =	simm.s32 $0x12480;
	s22 =	simm.s32 $0x5;
	s3 =	sor.u32 s6, s31  }
0xa: {  	s23 =	simm.s32 $0x6;
	[smem:$0x7FF] =	sst s5;
	s8 =	smul.u32 $0xC40, s3  }
0xb: {  	s24 =	simm.s32 $0x0;
	s9 =	ssub.s32 $0x2, s6;
	s3 =	rddreg [dreg:$0x4]  }
0xc: {  	s10 =	sshrl.u32 s9, $0x1;
	_ =	strace $0x80000047;
	s6 =	smin.u32 s8, $0x17A60  }
0xd: {  	s9 =	ssub.s32 s9, s10;
	s10 =	simm.s32 $0x7;
	s8 =	sshrl.u32 s6, $0x3  }
0xe: {  	s9 =	smax.u32 s9, $0x1;
	s7 =	sadd.s32 s7, s8;
	s8 =	sadd.s32 $0x70, s6  }
.LBB2_1:
0xf: {  	[tilespmem:s5], [sflag:$0x7] =	stream.linear.gather [hbm4b:s7+s5], $0xC40, $0x38;
	[tilespmem:$0x15C80] =	vst v63  }
0x10: {  	_ =	swait.ge [sflag:s10], $0xC40  }
0x11: {  	[sflag:s10] =	ssyncset.done $0x0  }
0x12: {  	[sflag:s10] =	ssyncadd.s32 $0xFFFFF3C0  }
0x13: {  	[tilespmem:s12], [sflag:$0x1] =	stream.indirect.gather [hbm4b:s2+s11], $0x80, s5, s11, $0xb8;
	[tilespmem:$0x15C80] =	vst v63  }
0x14: {  	_ = 	snop  }
0x15: {  	[tilespmem:s13], [sflag:$0x3] =	stream.indirect.gather [hbm4b:s1+s11], $0x80, s5, s11, $0xb8;
	[tilespmem:$0x15C80] =	vst v63  }
0x16: {  	_ = 	snop  }
0x17: {  	[tilespmem:s14], [sflag:$0x2] =	stream.indirect.gather [hbm4b:s2+s11], $0x80, s11, s11, $0xb8;
	[tilespmem:$0x15C80] =	vst v63  }
0x18: {  	s25 =	simm.s32 $0x0  }
0x19: {  	[tilespmem:s15], [sflag:$0x4] =	stream.indirect.gather [hbm4b:s1+s11], $0x80, s11, s11, $0xb8;
	[tilespmem:$0x15C80] =	vst v63  }
.LBB2_2:
0x1a: {  	_ =	swait.ge [sflag:s16], $0x3800  }
0x1b: {  	[sflag:s16] =	ssyncset.done $0x0  }
0x1c: {  	[sflag:s16] =	ssyncadd.s32 $0xFFFFC800  }
0x1d: {  	_ =	swait.ge [sflag:s17], $0x3800  }
0x1e: {  	p1 =	seq.s32 s25, $0x0;
	[sflag:s17] =	ssyncset.done $0x0  }
0x1f: {  	s26 =	simm.s32 @!p1 $0x5;
	[sflag:s17] =	ssyncadd.s32 $0xFFFFC800  }
0x20: {  	_ =	swait.ge @!p1 [sflag:s26], $0x3800  }
0x21: {  	[sflag:s26] =	ssyncset.done @!p1 $0x0  }
0x22: {  	[sflag:s26] =	ssyncadd.s32 @!p1 $0xFFFFC800;
	s26 =	simm.s32 $0x0  }
0x23: {  	v0 =	vld [tilespmem:s26+$0xE70]  }
0x24: {  	v1 =	vld [tilespmem:s26+$0x7E70]  }
0x25: {  	v2 =	vld [tilespmem:s26+$0xC80]  }
0x26: {  	v3 =	vld [tilespmem:s26+$0x7C80]  }
0x27: {  	v4 =	vld [tilespmem:s26+$0xC90]  }
0x28: {  	v5 =	vld [tilespmem:s26+$0x7C90]  }
0x29: {  	v6 =	vld [tilespmem:s26+$0xCA0]  }
0x2a: {  	v7 =	vld [tilespmem:s26+$0xCB0];
	v0 =	vadd.f32 v1, v0  }
0x2b: {  	v1 =	vld [tilespmem:s26+$0x7CA0]  }
0x2c: {  	v2 =	vadd.f32 v3, v2;
	[tilespmem:s26+$0xEE70] =	vst v0;
	v0 =	vld [tilespmem:s26+$0x7CB0]  }
0x2d: {  	v3 =	vld [tilespmem:s26+$0xCC0]  }
0x2e: {  	[tilespmem:s26+$0xEC80] =	vst v2;
	v2 =	vadd.f32 v5, v4;
	v4 =	vld [tilespmem:s26+$0x7CC0]  }
0x2f: {  	v5 =	vld [tilespmem:s26+$0x7CD0]  }
0x30: {  	[tilespmem:s26+$0xEC90] =	vst v2;
	v2 =	vld [tilespmem:s26+$0xCD0];
	v1 =	vadd.f32 v1, v6  }
0x31: {  	v6 =	vld [tilespmem:s26+$0x7CE0];
	v0 =	vadd.f32 v0, v7  }
0x32: {  	[tilespmem:s26+$0xECA0] =	vst v1;
	v1 =	vld [tilespmem:s26+$0xCE0]  }
0x33: {  	[tilespmem:s26+$0xECB0] =	vst v0;
	v0 =	vadd.f32 v4, v3;
	v3 =	vld [tilespmem:s26+$0xCF0]  }
0x34: {  	v4 =	vld [tilespmem:s26+$0x7CF0]  }
0x35: {  	[tilespmem:s26+$0xECC0] =	vst v0;
	v0 =	vadd.f32 v5, v2;
	v2 =	vld [tilespmem:s26+$0xD00]  }
0x36: {  	v5 =	vld [tilespmem:s26+$0x7D00]  }
0x37: {  	[tilespmem:s26+$0xECD0] =	vst v0;
	v0 =	vadd.f32 v6, v1;
	v1 =	vld [tilespmem:s26+$0xD10]  }
0x38: {  	v6 =	vld [tilespmem:s26+$0x7D10]  }
0x39: {  	[tilespmem:s26+$0xECE0] =	vst v0;
	v0 =	vadd.f32 v4, v3;
	v3 =	vld [tilespmem:s26+$0xD20]  }
0x3a: {  	v4 =	vld [tilespmem:s26+$0x7D20]  }
0x3b: {  	[tilespmem:s26+$0xECF0] =	vst v0;
	v0 =	vadd.f32 v5, v2;
	v2 =	vld [tilespmem:s26+$0xD30]  }
0x3c: {  	v5 =	vld [tilespmem:s26+$0x7D30]  }
0x3d: {  	[tilespmem:s26+$0xED00] =	vst v0;
	v0 =	vadd.f32 v6, v1;
	v1 =	vld [tilespmem:s26+$0xD40]  }
0x3e: {  	v6 =	vld [tilespmem:s26+$0x7D40]  }
0x3f: {  	[tilespmem:s26+$0xED10] =	vst v0;
	v0 =	vadd.f32 v4, v3;
	v3 =	vld [tilespmem:s26+$0xD50]  }
0x40: {  	v4 =	vld [tilespmem:s26+$0x7D50]  }
0x41: {  	[tilespmem:s26+$0xED20] =	vst v0;
	v0 =	vadd.f32 v5, v2;
	v2 =	vld [tilespmem:s26+$0xD60]  }
0x42: {  	v5 =	vld [tilespmem:s26+$0x7D60]  }
0x43: {  	[tilespmem:s26+$0xED30] =	vst v0;
	v0 =	vadd.f32 v6, v1;
	v1 =	vld [tilespmem:s26+$0xD70]  }
0x44: {  	v6 =	vld [tilespmem:s26+$0x7D70]  }
0x45: {  	[tilespmem:s26+$0xED40] =	vst v0;
	v0 =	vadd.f32 v4, v3;
	v3 =	vld [tilespmem:s26+$0xD80]  }
0x46: {  	v4 =	vld [tilespmem:s26+$0x7D80]  }
0x47: {  	[tilespmem:s26+$0xED50] =	vst v0;
	v0 =	vadd.f32 v5, v2;
	v2 =	vld [tilespmem:s26+$0xD90]  }
0x48: {  	v5 =	vld [tilespmem:s26+$0x7D90]  }
0x49: {  	[tilespmem:s26+$0xED60] =	vst v0;
	v0 =	vadd.f32 v6, v1;
	v1 =	vld [tilespmem:s26+$0xDA0]  }
0x4a: {  	v6 =	vld [tilespmem:s26+$0x7DA0]  }
0x4b: {  	[tilespmem:s26+$0xED70] =	vst v0;
	v0 =	vadd.f32 v4, v3;
	v3 =	vld [tilespmem:s26+$0xDB0]  }
0x4c: {  	v4 =	vld [tilespmem:s26+$0x7DB0]  }
0x4d: {  	[tilespmem:s26+$0xED80] =	vst v0;
	v0 =	vadd.f32 v5, v2;
	v2 =	vld [tilespmem:s26+$0xDC0]  }
0x4e: {  	v5 =	vld [tilespmem:s26+$0x7DC0]  }
0x4f: {  	[tilespmem:s26+$0xED90] =	vst v0;
	v0 =	vadd.f32 v6, v1;
	v1 =	vld [tilespmem:s26+$0xDD0]  }
0x50: {  	v6 =	vld [tilespmem:s26+$0x7DD0]  }
0x51: {  	[tilespmem:s26+$0xEDA0] =	vst v0;
	v0 =	vadd.f32 v4, v3;
	v3 =	vld [tilespmem:s26+$0xDE0]  }
0x52: {  	v4 =	vld [tilespmem:s26+$0x7DE0]  }
0x53: {  	[tilespmem:s26+$0xEDB0] =	vst v0;
	v0 =	vadd.f32 v5, v2;
	v2 =	vld [tilespmem:s26+$0xDF0]  }
0x54: {  	v5 =	vld [tilespmem:s26+$0x7DF0]  }
0x55: {  	[tilespmem:s26+$0xEDC0] =	vst v0;
	v0 =	vadd.f32 v6, v1;
	v1 =	vld [tilespmem:s26+$0xE00]  }
0x56: {  	v6 =	vld [tilespmem:s26+$0x7E00]  }
0x57: {  	[tilespmem:s26+$0xEDD0] =	vst v0;
	v0 =	vadd.f32 v4, v3;
	v3 =	vld [tilespmem:s26+$0xE10]  }
0x58: {  	v4 =	vld [tilespmem:s26+$0x7E10]  }
0x59: {  	[tilespmem:s26+$0xEDE0] =	vst v0;
	v0 =	vadd.f32 v5, v2;
	v2 =	vld [tilespmem:s26+$0xE20]  }
0x5a: {  	v5 =	vld [tilespmem:s26+$0x7E20]  }
0x5b: {  	[tilespmem:s26+$0xEDF0] =	vst v0;
	v0 =	vadd.f32 v6, v1;
	v1 =	vld [tilespmem:s26+$0xE30]  }
0x5c: {  	v6 =	vld [tilespmem:s26+$0x7E30]  }
0x5d: {  	v8 =	vld [tilespmem:s26+$0x7E40]  }
0x5e: {  	v7 =	vld [tilespmem:s26+$0xE40];
	[tilespmem:s26+$0xEE00] =	vst v0;
	v0 =	vadd.f32 v4, v3  }
0x5f: {  	v3 =	vld [tilespmem:s26+$0x7E50]  }
0x60: {  	[tilespmem:s26+$0xEE10] =	vst v0;
	v0 =	vadd.f32 v5, v2;
	v2 =	vld [tilespmem:s26+$0xE50]  }
0x61: {  	v4 =	vld [tilespmem:s26+$0x7E60];
	v5 =	vadd.f32 v6, v1  }
0x62: {  	s29 =	simm.s32 $0x200;
	[tilespmem:s26+$0xEE20] =	vst v0;
	v0 =	vld [tilespmem:s26+$0xE60]  }
0x63: {  	s28 =	simm.s32 $0x1000;
	v1 =	vld [tilespmem:s29+$0xE70];
	[tilespmem:s26+$0xEE30] =	vst v5;
	v5 =	vadd.f32 v8, v7  }
.LBB2_3:
0x64: {  	p0 =	sne.s32 s28, $0xD800;
	v6 =	vld [tilespmem:s29+$0x7E70]  }
0x65: {  	v7 =	vld [tilespmem:s29+$0xC80];
	[tilespmem:s26+$0xEE40] =	vst v5;
	v2 =	vadd.f32 v3, v2  }
0x66: {  	v3 =	vld [tilespmem:s29+$0x7C80]  }
0x67: {  	v5 =	vld [tilespmem:s29+$0xC90];
	[tilespmem:s26+$0xEE50] =	vst v2;
	v0 =	vadd.f32 v4, v0  }
0x68: {  	v2 =	vld [tilespmem:s29+$0x7C90]  }
0x69: {  	v4 =	vld [tilespmem:s29+$0xCA0];
	v1 =	vadd.f32 v6, v1;
	[tilespmem:s26+$0xEE60] =	vst v0;
	s26 =	smov.u32 s29  }
0x6a: {  	v0 =	vld [tilespmem:s26+$0x7CA0]  }
0x6b: {  	v3 =	vadd.f32 v3, v7;
	v6 =	vld [tilespmem:s26+$0xCB0];
	[tilespmem:s26+$0xEE70] =	vst v1  }
0x6c: {  	v1 =	vld [tilespmem:s26+$0x7CB0]  }
0x6d: {  	[tilespmem:s26+$0xEC80] =	vst v3;
	v2 =	vadd.f32 v2, v5;
	v3 =	vld [tilespmem:s26+$0xCC0]  }
0x6e: {  	v5 =	vld [tilespmem:s26+$0x7CC0]  }
0x6f: {  	[tilespmem:s26+$0xEC90] =	vst v2;
	v0 =	vadd.f32 v0, v4;
	v2 =	vld [tilespmem:s26+$0xCD0]  }
0x70: {  	v4 =	vld [tilespmem:s26+$0x7CD0]  }
0x71: {  	[tilespmem:s26+$0xECA0] =	vst v0;
	v0 =	vadd.f32 v1, v6;
	v1 =	vld [tilespmem:s26+$0xCE0]  }
0x72: {  	v6 =	vld [tilespmem:s26+$0x7CE0]  }
0x73: {  	[tilespmem:s26+$0xECB0] =	vst v0;
	v0 =	vadd.f32 v5, v3;
	v3 =	vld [tilespmem:s26+$0xCF0]  }
0x74: {  	v5 =	vld [tilespmem:s26+$0x7CF0]  }
0x75: {  	[tilespmem:s26+$0xECC0] =	vst v0;
	v0 =	vadd.f32 v4, v2;
	v2 =	vld [tilespmem:s26+$0xD00]  }
0x76: {  	v4 =	vld [tilespmem:s26+$0x7D00]  }
0x77: {  	[tilespmem:s26+$0xECD0] =	vst v0;
	v0 =	vadd.f32 v6, v1;
	v1 =	vld [tilespmem:s26+$0xD10]  }
0x78: {  	v6 =	vld [tilespmem:s26+$0x7D10]  }
0x79: {  	[tilespmem:s26+$0xECE0] =	vst v0;
	v0 =	vadd.f32 v5, v3;
	v3 =	vld [tilespmem:s26+$0xD20]  }
0x7a: {  	v5 =	vld [tilespmem:s26+$0x7D20]  }
0x7b: {  	[tilespmem:s26+$0xECF0] =	vst v0;
	v0 =	vadd.f32 v4, v2;
	v2 =	vld [tilespmem:s26+$0xD30]  }
0x7c: {  	v4 =	vld [tilespmem:s26+$0x7D30]  }
0x7d: {  	[tilespmem:s26+$0xED00] =	vst v0;
	v0 =	vadd.f32 v6, v1;
	v1 =	vld [tilespmem:s26+$0xD40]  }
0x7e: {  	v6 =	vld [tilespmem:s26+$0x7D40]  }
0x7f: {  	[tilespmem:s26+$0xED10] =	vst v0;
	v0 =	vadd.f32 v5, v3;
	v3 =	vld [tilespmem:s26+$0xD50]  }
0x80: {  	v5 =	vld [tilespmem:s26+$0x7D50]  }
0x81: {  	[tilespmem:s26+$0xED20] =	vst v0;
	v0 =	vadd.f32 v4, v2;
	v2 =	vld [tilespmem:s26+$0xD60]  }
0x82: {  	v4 =	vld [tilespmem:s26+$0x7D60]  }
0x83: {  	[tilespmem:s26+$0xED30] =	vst v0;
	v0 =	vadd.f32 v6, v1;
	v1 =	vld [tilespmem:s26+$0xD70]  }
0x84: {  	v6 =	vld [tilespmem:s26+$0x7D70]  }
0x85: {  	[tilespmem:s26+$0xED40] =	vst v0;
	v0 =	vadd.f32 v5, v3;
	v3 =	vld [tilespmem:s26+$0xD80]  }
0x86: {  	v5 =	vld [tilespmem:s26+$0x7D80]  }
0x87: {  	[tilespmem:s26+$0xED50] =	vst v0;
	v0 =	vadd.f32 v4, v2;
	v2 =	vld [tilespmem:s26+$0xD90]  }
0x88: {  	v4 =	vld [tilespmem:s26+$0x7D90]  }
0x89: {  	[tilespmem:s26+$0xED60] =	vst v0;
	v0 =	vadd.f32 v6, v1;
	v1 =	vld [tilespmem:s26+$0xDA0]  }
0x8a: {  	v6 =	vld [tilespmem:s26+$0x7DA0]  }
0x8b: {  	[tilespmem:s26+$0xED70] =	vst v0;
	v0 =	vadd.f32 v5, v3;
	v3 =	vld [tilespmem:s26+$0xDB0]  }
0x8c: {  	v5 =	vld [tilespmem:s26+$0x7DB0]  }
0x8d: {  	[tilespmem:s26+$0xED80] =	vst v0;
	v0 =	vadd.f32 v4, v2;
	v2 =	vld [tilespmem:s26+$0xDC0]  }
0x8e: {  	v4 =	vld [tilespmem:s26+$0x7DC0]  }
0x8f: {  	[tilespmem:s26+$0xED90] =	vst v0;
	v0 =	vadd.f32 v6, v1;
	v1 =	vld [tilespmem:s26+$0xDD0]  }
0x90: {  	v6 =	vld [tilespmem:s26+$0x7DD0]  }
0x91: {  	[tilespmem:s26+$0xEDA0] =	vst v0;
	v0 =	vadd.f32 v5, v3;
	v3 =	vld [tilespmem:s26+$0xDE0]  }
0x92: {  	v5 =	vld [tilespmem:s26+$0x7DE0]  }
0x93: {  	[tilespmem:s26+$0xEDB0] =	vst v0;
	v0 =	vadd.f32 v4, v2;
	v2 =	vld [tilespmem:s26+$0xDF0]  }
0x94: {  	v4 =	vld [tilespmem:s26+$0x7DF0]  }
0x95: {  	[tilespmem:s26+$0xEDC0] =	vst v0;
	v0 =	vadd.f32 v6, v1;
	v1 =	vld [tilespmem:s26+$0xE00]  }
0x96: {  	v6 =	vld [tilespmem:s26+$0x7E00]  }
0x97: {  	[tilespmem:s26+$0xEDD0] =	vst v0;
	v0 =	vadd.f32 v5, v3;
	v3 =	vld [tilespmem:s26+$0xE10]  }
0x98: {  	v5 =	vld [tilespmem:s26+$0x7E10]  }
0x99: {  	[tilespmem:s26+$0xEDE0] =	vst v0;
	v0 =	vadd.f32 v4, v2;
	v2 =	vld [tilespmem:s26+$0xE20]  }
0x9a: {  	v4 =	vld [tilespmem:s26+$0x7E20]  }
0x9b: {  	[tilespmem:s26+$0xEDF0] =	vst v0;
	v0 =	vadd.f32 v6, v1;
	v1 =	vld [tilespmem:s26+$0xE30]  }
0x9c: {  	v6 =	vld [tilespmem:s26+$0x7E30]  }
0x9d: {  	[tilespmem:s26+$0xEE00] =	vst v0;
	v0 =	vadd.f32 v5, v3;
	v5 =	vld [tilespmem:s26+$0xE40]  }
0x9e: {  	v7 =	vld [tilespmem:s26+$0x7E40]  }
.Ltmp0:
0x9f: {  	[tilespmem:s26+$0xEE10] =	vst v0;
	v0 =	vadd.f32 v4, v2;
	v2 =	vld [tilespmem:s26+$0xE50];
	(pc) =	sbr.rel @p0 .LBB2_3-.Ltmp0, $4  }
0xa0: {  	v3 =	vld [tilespmem:s26+$0x7E50]  }
0xa1: {  	[tilespmem:s26+$0xEE20] =	vst v0;
	v6 =	vadd.f32 v6, v1;
	v0 =	vld [tilespmem:s26+$0xE60]  }
0xa2: {  	s29 =	sshra.s32 s28, $0x2;
	v4 =	vld [tilespmem:s26+$0x7E60]  }
0xa3: {  	s28 =	sadd.s32 $0x800, s28;
	v1 =	vld [tilespmem:s29+$0xE70];
	[tilespmem:s26+$0xEE30] =	vst v6;
	v5 =	vadd.f32 v7, v5  }
0xa4: {  	v6 =	vld [tilespmem:s29+$0x7E70]  }
0xa5: {  	v7 =	vld [tilespmem:s29+$0xC80];
	[tilespmem:s26+$0xEE40] =	vst v5;
	v2 =	vadd.f32 v3, v2  }
0xa6: {  	v3 =	vld [tilespmem:s29+$0x7C80]  }
0xa7: {  	v5 =	vld [tilespmem:s29+$0xC90];
	[tilespmem:s26+$0xEE50] =	vst v2;
	v0 =	vadd.f32 v4, v0  }
0xa8: {  	v2 =	vld [tilespmem:s29+$0x7C90]  }
0xa9: {  	v4 =	vld [tilespmem:s29+$0xCA0];
	[tilespmem:s26+$0xEE60] =	vst v0  }
0xaa: {  	v0 =	vadd.f32 v6, v1;
	v1 =	vld [tilespmem:s29+$0x7CA0]  }
0xab: {  	v6 =	vld [tilespmem:s29+$0xCB0]  }
0xac: {  	v3 =	vadd.f32 v3, v7;
	[tilespmem:s29+$0xEE70] =	vst v0;
	v0 =	vld [tilespmem:s29+$0x7CB0]  }
0xad: {  	v7 =	vld [tilespmem:s29+$0x7E60]  }
0xae: {  	[tilespmem:s29+$0xEC80] =	vst v3;
	v2 =	vadd.f32 v2, v5;
	v3 =	vld [tilespmem:s29+$0xCC0]  }
0xaf: {  	v5 =	vld [tilespmem:s29+$0x7CC0]  }
0xb0: {  	[tilespmem:s29+$0xEC90] =	vst v2;
	v2 =	vld [tilespmem:s29+$0xCD0]  }
0xb1: {  	v1 =	vadd.f32 v1, v4;
	v4 =	vld [tilespmem:s29+$0x7CD0]  }
0xb2: {  	v0 =	vadd.f32 v0, v6;
	v6 =	vld [tilespmem:s29+$0x7CE0]  }
0xb3: {  	[tilespmem:s29+$0xECA0] =	vst v1;
	v1 =	vld [tilespmem:s29+$0xCE0]  }
0xb4: {  	[tilespmem:s29+$0xECB0] =	vst v0;
	v0 =	vadd.f32 v5, v3;
	v3 =	vld [tilespmem:s29+$0xCF0]  }
0xb5: {  	v5 =	vld [tilespmem:s29+$0x7CF0]  }
0xb6: {  	[tilespmem:s29+$0xECC0] =	vst v0;
	v0 =	vadd.f32 v4, v2;
	v2 =	vld [tilespmem:s29+$0xD00]  }
0xb7: {  	v4 =	vld [tilespmem:s29+$0x7D00]  }
0xb8: {  	[tilespmem:s29+$0xECD0] =	vst v0;
	v0 =	vadd.f32 v6, v1;
	v1 =	vld [tilespmem:s29+$0xD10]  }
0xb9: {  	v6 =	vld [tilespmem:s29+$0x7D10]  }
0xba: {  	[tilespmem:s29+$0xECE0] =	vst v0;
	v0 =	vadd.f32 v5, v3;
	v3 =	vld [tilespmem:s29+$0xD20]  }
0xbb: {  	v5 =	vld [tilespmem:s29+$0x7D20]  }
0xbc: {  	[tilespmem:s29+$0xECF0] =	vst v0;
	v0 =	vadd.f32 v4, v2;
	v2 =	vld [tilespmem:s29+$0xD30]  }
0xbd: {  	v4 =	vld [tilespmem:s29+$0x7D30]  }
0xbe: {  	[tilespmem:s29+$0xED00] =	vst v0;
	v0 =	vadd.f32 v6, v1;
	v1 =	vld [tilespmem:s29+$0xD40]  }
0xbf: {  	v6 =	vld [tilespmem:s29+$0x7D40]  }
0xc0: {  	[tilespmem:s29+$0xED10] =	vst v0;
	v0 =	vadd.f32 v5, v3;
	v3 =	vld [tilespmem:s29+$0xD50]  }
0xc1: {  	v5 =	vld [tilespmem:s29+$0x7D50]  }
0xc2: {  	[tilespmem:s29+$0xED20] =	vst v0;
	v0 =	vadd.f32 v4, v2;
	v2 =	vld [tilespmem:s29+$0xD60]  }
0xc3: {  	v4 =	vld [tilespmem:s29+$0x7D60]  }
0xc4: {  	[tilespmem:s29+$0xED30] =	vst v0;
	v0 =	vadd.f32 v6, v1;
	v1 =	vld [tilespmem:s29+$0xD70]  }
0xc5: {  	v6 =	vld [tilespmem:s29+$0x7D70]  }
0xc6: {  	[tilespmem:s29+$0xED40] =	vst v0;
	v0 =	vadd.f32 v5, v3;
	v3 =	vld [tilespmem:s29+$0xD80]  }
0xc7: {  	v5 =	vld [tilespmem:s29+$0x7D80]  }
0xc8: {  	[tilespmem:s29+$0xED50] =	vst v0;
	v0 =	vadd.f32 v4, v2;
	v2 =	vld [tilespmem:s29+$0xD90]  }
0xc9: {  	v4 =	vld [tilespmem:s29+$0x7D90]  }
0xca: {  	[tilespmem:s29+$0xED60] =	vst v0;
	v0 =	vadd.f32 v6, v1;
	v1 =	vld [tilespmem:s29+$0xDA0]  }
0xcb: {  	v6 =	vld [tilespmem:s29+$0x7DA0]  }
0xcc: {  	[tilespmem:s29+$0xED70] =	vst v0;
	v0 =	vadd.f32 v5, v3;
	v3 =	vld [tilespmem:s29+$0xDB0]  }
0xcd: {  	v5 =	vld [tilespmem:s29+$0x7DB0]  }
0xce: {  	[tilespmem:s29+$0xED80] =	vst v0;
	v0 =	vadd.f32 v4, v2;
	v2 =	vld [tilespmem:s29+$0xDC0]  }
0xcf: {  	v4 =	vld [tilespmem:s29+$0x7DC0]  }
0xd0: {  	[tilespmem:s29+$0xED90] =	vst v0;
	v0 =	vadd.f32 v6, v1;
	v1 =	vld [tilespmem:s29+$0xDD0]  }
0xd1: {  	v6 =	vld [tilespmem:s29+$0x7DD0]  }
0xd2: {  	[tilespmem:s29+$0xEDA0] =	vst v0;
	v0 =	vadd.f32 v5, v3;
	v3 =	vld [tilespmem:s29+$0xDE0]  }
0xd3: {  	v5 =	vld [tilespmem:s29+$0x7DE0]  }
0xd4: {  	[tilespmem:s29+$0xEDB0] =	vst v0;
	v0 =	vadd.f32 v4, v2;
	v2 =	vld [tilespmem:s29+$0xDF0]  }
0xd5: {  	v4 =	vld [tilespmem:s29+$0x7DF0]  }
0xd6: {  	[tilespmem:s29+$0xEDC0] =	vst v0;
	v0 =	vadd.f32 v6, v1;
	v1 =	vld [tilespmem:s29+$0xE00]  }
0xd7: {  	v6 =	vld [tilespmem:s29+$0x7E00]  }
0xd8: {  	[tilespmem:s29+$0xEDD0] =	vst v0;
	v0 =	vadd.f32 v5, v3;
	v3 =	vld [tilespmem:s29+$0xE10]  }
0xd9: {  	v5 =	vld [tilespmem:s29+$0x7E10]  }
0xda: {  	[tilespmem:s29+$0xEDE0] =	vst v0;
	v0 =	vadd.f32 v4, v2;
	v2 =	vld [tilespmem:s29+$0xE20]  }
0xdb: {  	v4 =	vld [tilespmem:s29+$0x7E20]  }
0xdc: {  	[tilespmem:s29+$0xEDF0] =	vst v0;
	v0 =	vadd.f32 v6, v1;
	v1 =	vld [tilespmem:s29+$0xE30]  }
0xdd: {  	v6 =	vld [tilespmem:s29+$0x7E30]  }
0xde: {  	[tilespmem:s29+$0xEE00] =	vst v0;
	v0 =	vadd.f32 v5, v3;
	v3 =	vld [tilespmem:s29+$0xE40]  }
0xdf: {  	v5 =	vld [tilespmem:s29+$0x7E40]  }
0xe0: {  	[tilespmem:s29+$0xEE10] =	vst v0;
	v0 =	vadd.f32 v4, v2;
	v2 =	vld [tilespmem:s29+$0xE50]  }
0xe1: {  	v4 =	vld [tilespmem:s29+$0x7E50]  }
0xe2: {  	[tilespmem:s29+$0xEE20] =	vst v0;
	v0 =	vld [tilespmem:s29+$0xE60];
	_ =	sdelay $0x1  }
0xe3: {  	v1 =	vadd.f32 v6, v1  }
0xe4: {  	p0 =	seq.s32 s25, $0xD;
	v3 =	vadd.f32 v5, v3  }
0xe5: {  	s26 =	smul.u32 @!p0 $0x380, s25;
	[tilespmem:s29+$0xEE30] =	vst v1;
	v1 =	vadd.f32 v4, v2  }
0xe6: {  	[tilespmem:s29+$0xEE40] =	vst v3;
	v0 =	vadd.f32 v7, v0  }
0xe7: {  	s26 =	sshra.s32 @!p0 s26, $0x2;
	[tilespmem:s29+$0xEE50] =	vst v1  }
0xe8: {  	s30 =	simm.s32 @!p0 $0x70;
	s28 =	simm.s32 @!p0 $0xC80;
	[tilespmem:s29+$0xEE60] =	vst v0;
	s29 =	sadd.s32 @!p0 $0xE0, s26  }
0xe9: {  	[tilespmem:s28], [sflag:$0x1] =	stream.indirect.gather @!p0 [hbm4b:s2+s30], $0x80, s29, s30, $0xb8;
	[tilespmem:$0x15C80] =	vst v63  }
0xea: {  	s31 =	simm.s32 @!p0 $0x7C80;
	s28 =	smul.u32 $0xE0, s25  }
0xeb: {  	[tilespmem:s31], [sflag:$0x3] =	stream.indirect.gather @!p0 [hbm4b:s1+s30], $0x80, s29, s30, $0xb8;
	[tilespmem:$0x15C80] =	vst v63  }
0xec: {  	s29 =	sadd.s32 s6, s28  }
0xed: {  	s29 =	sshll.u32 s29, $0x4  }
0xee: {  	s29 =	sadd.s32 s4, s29  }
0xef: {  	[hbm4b:s29+s5] =	stream.linear.scatter [tilespmem:s18], [sflag:$0x5], $0x3800, $0x38;
	[tilespmem:$0x15C80] =	vst v63  }
0xf0: {  	_ =	swait.ge [sflag:s19], $0x3800  }
0xf1: {  	[sflag:s19] =	ssyncset.done $0x0  }
0xf2: {  	[sflag:s19] =	ssyncadd.s32 $0xFFFFC800  }
0xf3: {  	_ =	swait.ge [sflag:s20], $0x3800  }
0xf4: {  	[sflag:s20] =	ssyncset.done $0x0  }
0xf5: {  	s29 =	simm.s32 @!p1 $0x6;
	[sflag:s20] =	ssyncadd.s32 $0xFFFFC800  }
0xf6: {  	_ =	swait.ge @!p1 [sflag:s29], $0x3800  }
0xf7: {  	[sflag:s29] =	ssyncset.done @!p1 $0x0  }
0xf8: {  	[sflag:s29] =	ssyncadd.s32 @!p1 $0xFFFFC800;
	s29 =	simm.s32 $0x0  }
0xf9: {  	v0 =	vld [tilespmem:s29+$0x4670]  }
0xfa: {  	v1 =	vld [tilespmem:s29+$0xB670]  }
0xfb: {  	v2 =	vld [tilespmem:s29+$0x4480]  }
0xfc: {  	v3 =	vld [tilespmem:s29+$0xB480]  }
0xfd: {  	v4 =	vld [tilespmem:s29+$0x4490]  }
0xfe: {  	v5 =	vld [tilespmem:s29+$0xB490]  }
0xff: {  	v6 =	vld [tilespmem:s29+$0x44A0]  }
0x100: {  	v7 =	vld [tilespmem:s29+$0x44B0];
	v0 =	vadd.f32 v1, v0  }
0x101: {  	v1 =	vld [tilespmem:s29+$0xB4A0]  }
0x102: {  	v2 =	vadd.f32 v3, v2;
	[tilespmem:s29+$0x12670] =	vst v0;
	v0 =	vld [tilespmem:s29+$0xB4B0]  }
0x103: {  	v3 =	vld [tilespmem:s29+$0x44C0]  }
0x104: {  	[tilespmem:s29+$0x12480] =	vst v2;
	v2 =	vadd.f32 v5, v4;
	v4 =	vld [tilespmem:s29+$0xB4C0]  }
0x105: {  	v5 =	vld [tilespmem:s29+$0xB4D0]  }
0x106: {  	[tilespmem:s29+$0x12490] =	vst v2;
	v2 =	vld [tilespmem:s29+$0x44D0];
	v1 =	vadd.f32 v1, v6  }
0x107: {  	v6 =	vld [tilespmem:s29+$0xB4E0];
	v0 =	vadd.f32 v0, v7  }
0x108: {  	[tilespmem:s29+$0x124A0] =	vst v1;
	v1 =	vld [tilespmem:s29+$0x44E0]  }
0x109: {  	[tilespmem:s29+$0x124B0] =	vst v0;
	v0 =	vadd.f32 v4, v3;
	v3 =	vld [tilespmem:s29+$0x44F0]  }
0x10a: {  	v4 =	vld [tilespmem:s29+$0xB4F0]  }
0x10b: {  	[tilespmem:s29+$0x124C0] =	vst v0;
	v0 =	vadd.f32 v5, v2;
	v2 =	vld [tilespmem:s29+$0x4500]  }
0x10c: {  	v5 =	vld [tilespmem:s29+$0xB500]  }
0x10d: {  	[tilespmem:s29+$0x124D0] =	vst v0;
	v0 =	vadd.f32 v6, v1;
	v1 =	vld [tilespmem:s29+$0x4510]  }
0x10e: {  	v6 =	vld [tilespmem:s29+$0xB510]  }
0x10f: {  	[tilespmem:s29+$0x124E0] =	vst v0;
	v0 =	vadd.f32 v4, v3;
	v3 =	vld [tilespmem:s29+$0x4520]  }
0x110: {  	v4 =	vld [tilespmem:s29+$0xB520]  }
0x111: {  	[tilespmem:s29+$0x124F0] =	vst v0;
	v0 =	vadd.f32 v5, v2;
	v2 =	vld [tilespmem:s29+$0x4530]  }
0x112: {  	v5 =	vld [tilespmem:s29+$0xB530]  }
0x113: {  	[tilespmem:s29+$0x12500] =	vst v0;
	v0 =	vadd.f32 v6, v1;
	v1 =	vld [tilespmem:s29+$0x4540]  }
0x114: {  	v6 =	vld [tilespmem:s29+$0xB540]  }
0x115: {  	[tilespmem:s29+$0x12510] =	vst v0;
	v0 =	vadd.f32 v4, v3;
	v3 =	vld [tilespmem:s29+$0x4550]  }
0x116: {  	v4 =	vld [tilespmem:s29+$0xB550]  }
0x117: {  	[tilespmem:s29+$0x12520] =	vst v0;
	v0 =	vadd.f32 v5, v2;
	v2 =	vld [tilespmem:s29+$0x4560]  }
0x118: {  	v5 =	vld [tilespmem:s29+$0xB560]  }
0x119: {  	[tilespmem:s29+$0x12530] =	vst v0;
	v0 =	vadd.f32 v6, v1;
	v1 =	vld [tilespmem:s29+$0x4570]  }
0x11a: {  	v6 =	vld [tilespmem:s29+$0xB570]  }
0x11b: {  	[tilespmem:s29+$0x12540] =	vst v0;
	v0 =	vadd.f32 v4, v3;
	v3 =	vld [tilespmem:s29+$0x4580]  }
0x11c: {  	v4 =	vld [tilespmem:s29+$0xB580]  }
0x11d: {  	[tilespmem:s29+$0x12550] =	vst v0;
	v0 =	vadd.f32 v5, v2;
	v2 =	vld [tilespmem:s29+$0x4590]  }
0x11e: {  	v5 =	vld [tilespmem:s29+$0xB590]  }
0x11f: {  	[tilespmem:s29+$0x12560] =	vst v0;
	v0 =	vadd.f32 v6, v1;
	v1 =	vld [tilespmem:s29+$0x45A0]  }
0x120: {  	v6 =	vld [tilespmem:s29+$0xB5A0]  }
0x121: {  	[tilespmem:s29+$0x12570] =	vst v0;
	v0 =	vadd.f32 v4, v3;
	v3 =	vld [tilespmem:s29+$0x45B0]  }
0x122: {  	v4 =	vld [tilespmem:s29+$0xB5B0]  }
0x123: {  	[tilespmem:s29+$0x12580] =	vst v0;
	v0 =	vadd.f32 v5, v2;
	v2 =	vld [tilespmem:s29+$0x45C0]  }
0x124: {  	v5 =	vld [tilespmem:s29+$0xB5C0]  }
0x125: {  	[tilespmem:s29+$0x12590] =	vst v0;
	v0 =	vadd.f32 v6, v1;
	v1 =	vld [tilespmem:s29+$0x45D0]  }
0x126: {  	v6 =	vld [tilespmem:s29+$0xB5D0]  }
0x127: {  	[tilespmem:s29+$0x125A0] =	vst v0;
	v0 =	vadd.f32 v4, v3;
	v3 =	vld [tilespmem:s29+$0x45E0]  }
0x128: {  	v4 =	vld [tilespmem:s29+$0xB5E0]  }
0x129: {  	[tilespmem:s29+$0x125B0] =	vst v0;
	v0 =	vadd.f32 v5, v2;
	v2 =	vld [tilespmem:s29+$0x45F0]  }
0x12a: {  	v5 =	vld [tilespmem:s29+$0xB5F0]  }
0x12b: {  	[tilespmem:s29+$0x125C0] =	vst v0;
	v0 =	vadd.f32 v6, v1;
	v1 =	vld [tilespmem:s29+$0x4600]  }
0x12c: {  	v6 =	vld [tilespmem:s29+$0xB600]  }
0x12d: {  	[tilespmem:s29+$0x125D0] =	vst v0;
	v0 =	vadd.f32 v4, v3;
	v3 =	vld [tilespmem:s29+$0x4610]  }
0x12e: {  	v4 =	vld [tilespmem:s29+$0xB610]  }
0x12f: {  	[tilespmem:s29+$0x125E0] =	vst v0;
	v0 =	vadd.f32 v5, v2;
	v2 =	vld [tilespmem:s29+$0x4620]  }
0x130: {  	v5 =	vld [tilespmem:s29+$0xB620]  }
0x131: {  	[tilespmem:s29+$0x125F0] =	vst v0;
	v0 =	vadd.f32 v6, v1;
	v1 =	vld [tilespmem:s29+$0x4630]  }
0x132: {  	v6 =	vld [tilespmem:s29+$0xB630]  }
0x133: {  	v8 =	vld [tilespmem:s29+$0xB640]  }
0x134: {  	v7 =	vld [tilespmem:s29+$0x4640];
	[tilespmem:s29+$0x12600] =	vst v0;
	v0 =	vadd.f32 v4, v3  }
0x135: {  	v3 =	vld [tilespmem:s29+$0xB650]  }
0x136: {  	[tilespmem:s29+$0x12610] =	vst v0;
	v0 =	vadd.f32 v5, v2;
	v2 =	vld [tilespmem:s29+$0x4650]  }
0x137: {  	v4 =	vld [tilespmem:s29+$0xB660];
	v5 =	vadd.f32 v6, v1  }
0x138: {  	s31 =	simm.s32 $0x200;
	[tilespmem:s29+$0x12620] =	vst v0;
	v0 =	vld [tilespmem:s29+$0x4660]  }
0x139: {  	s30 =	simm.s32 $0x1000;
	v1 =	vld [tilespmem:s31+$0x4670];
	[tilespmem:s29+$0x12630] =	vst v5;
	v5 =	vadd.f32 v8, v7  }
.LBB2_5:
0x13a: {  	p1 =	sne.s32 s30, $0xD800;
	v6 =	vld [tilespmem:s31+$0xB670]  }
0x13b: {  	v7 =	vld [tilespmem:s31+$0x4480];
	[tilespmem:s29+$0x12640] =	vst v5;
	v2 =	vadd.f32 v3, v2  }
0x13c: {  	v3 =	vld [tilespmem:s31+$0xB480]  }
0x13d: {  	v5 =	vld [tilespmem:s31+$0x4490];
	[tilespmem:s29+$0x12650] =	vst v2;
	v0 =	vadd.f32 v4, v0  }
0x13e: {  	v2 =	vld [tilespmem:s31+$0xB490]  }
0x13f: {  	v4 =	vld [tilespmem:s31+$0x44A0];
	v1 =	vadd.f32 v6, v1;
	[tilespmem:s29+$0x12660] =	vst v0;
	s29 =	smov.u32 s31  }
0x140: {  	v0 =	vld [tilespmem:s29+$0xB4A0]  }
0x141: {  	v3 =	vadd.f32 v3, v7;
	v6 =	vld [tilespmem:s29+$0x44B0];
	[tilespmem:s29+$0x12670] =	vst v1  }
0x142: {  	v1 =	vld [tilespmem:s29+$0xB4B0]  }
0x143: {  	[tilespmem:s29+$0x12480] =	vst v3;
	v2 =	vadd.f32 v2, v5;
	v3 =	vld [tilespmem:s29+$0x44C0]  }
0x144: {  	v5 =	vld [tilespmem:s29+$0xB4C0]  }
0x145: {  	[tilespmem:s29+$0x12490] =	vst v2;
	v0 =	vadd.f32 v0, v4;
	v2 =	vld [tilespmem:s29+$0x44D0]  }
0x146: {  	v4 =	vld [tilespmem:s29+$0xB4D0]  }
0x147: {  	[tilespmem:s29+$0x124A0] =	vst v0;
	v0 =	vadd.f32 v1, v6;
	v1 =	vld [tilespmem:s29+$0x44E0]  }
0x148: {  	v6 =	vld [tilespmem:s29+$0xB4E0]  }
0x149: {  	[tilespmem:s29+$0x124B0] =	vst v0;
	v0 =	vadd.f32 v5, v3;
	v3 =	vld [tilespmem:s29+$0x44F0]  }
0x14a: {  	v5 =	vld [tilespmem:s29+$0xB4F0]  }
0x14b: {  	[tilespmem:s29+$0x124C0] =	vst v0;
	v0 =	vadd.f32 v4, v2;
	v2 =	vld [tilespmem:s29+$0x4500]  }
0x14c: {  	v4 =	vld [tilespmem:s29+$0xB500]  }
0x14d: {  	[tilespmem:s29+$0x124D0] =	vst v0;
	v0 =	vadd.f32 v6, v1;
	v1 =	vld [tilespmem:s29+$0x4510]  }
0x14e: {  	v6 =	vld [tilespmem:s29+$0xB510]  }
0x14f: {  	[tilespmem:s29+$0x124E0] =	vst v0;
	v0 =	vadd.f32 v5, v3;
	v3 =	vld [tilespmem:s29+$0x4520]  }
0x150: {  	v5 =	vld [tilespmem:s29+$0xB520]  }
0x151: {  	[tilespmem:s29+$0x124F0] =	vst v0;
	v0 =	vadd.f32 v4, v2;
	v2 =	vld [tilespmem:s29+$0x4530]  }
0x152: {  	v4 =	vld [tilespmem:s29+$0xB530]  }
0x153: {  	[tilespmem:s29+$0x12500] =	vst v0;
	v0 =	vadd.f32 v6, v1;
	v1 =	vld [tilespmem:s29+$0x4540]  }
0x154: {  	v6 =	vld [tilespmem:s29+$0xB540]  }
0x155: {  	[tilespmem:s29+$0x12510] =	vst v0;
	v0 =	vadd.f32 v5, v3;
	v3 =	vld [tilespmem:s29+$0x4550]  }
0x156: {  	v5 =	vld [tilespmem:s29+$0xB550]  }
0x157: {  	[tilespmem:s29+$0x12520] =	vst v0;
	v0 =	vadd.f32 v4, v2;
	v2 =	vld [tilespmem:s29+$0x4560]  }
0x158: {  	v4 =	vld [tilespmem:s29+$0xB560]  }
0x159: {  	[tilespmem:s29+$0x12530] =	vst v0;
	v0 =	vadd.f32 v6, v1;
	v1 =	vld [tilespmem:s29+$0x4570]  }
0x15a: {  	v6 =	vld [tilespmem:s29+$0xB570]  }
0x15b: {  	[tilespmem:s29+$0x12540] =	vst v0;
	v0 =	vadd.f32 v5, v3;
	v3 =	vld [tilespmem:s29+$0x4580]  }
0x15c: {  	v5 =	vld [tilespmem:s29+$0xB580]  }
0x15d: {  	[tilespmem:s29+$0x12550] =	vst v0;
	v0 =	vadd.f32 v4, v2;
	v2 =	vld [tilespmem:s29+$0x4590]  }
0x15e: {  	v4 =	vld [tilespmem:s29+$0xB590]  }
0x15f: {  	[tilespmem:s29+$0x12560] =	vst v0;
	v0 =	vadd.f32 v6, v1;
	v1 =	vld [tilespmem:s29+$0x45A0]  }
0x160: {  	v6 =	vld [tilespmem:s29+$0xB5A0]  }
0x161: {  	[tilespmem:s29+$0x12570] =	vst v0;
	v0 =	vadd.f32 v5, v3;
	v3 =	vld [tilespmem:s29+$0x45B0]  }
0x162: {  	v5 =	vld [tilespmem:s29+$0xB5B0]  }
0x163: {  	[tilespmem:s29+$0x12580] =	vst v0;
	v0 =	vadd.f32 v4, v2;
	v2 =	vld [tilespmem:s29+$0x45C0]  }
0x164: {  	v4 =	vld [tilespmem:s29+$0xB5C0]  }
0x165: {  	[tilespmem:s29+$0x12590] =	vst v0;
	v0 =	vadd.f32 v6, v1;
	v1 =	vld [tilespmem:s29+$0x45D0]  }
0x166: {  	v6 =	vld [tilespmem:s29+$0xB5D0]  }
0x167: {  	[tilespmem:s29+$0x125A0] =	vst v0;
	v0 =	vadd.f32 v5, v3;
	v3 =	vld [tilespmem:s29+$0x45E0]  }
0x168: {  	v5 =	vld [tilespmem:s29+$0xB5E0]  }
0x169: {  	[tilespmem:s29+$0x125B0] =	vst v0;
	v0 =	vadd.f32 v4, v2;
	v2 =	vld [tilespmem:s29+$0x45F0]  }
0x16a: {  	v4 =	vld [tilespmem:s29+$0xB5F0]  }
0x16b: {  	[tilespmem:s29+$0x125C0] =	vst v0;
	v0 =	vadd.f32 v6, v1;
	v1 =	vld [tilespmem:s29+$0x4600]  }
0x16c: {  	v6 =	vld [tilespmem:s29+$0xB600]  }
0x16d: {  	[tilespmem:s29+$0x125D0] =	vst v0;
	v0 =	vadd.f32 v5, v3;
	v3 =	vld [tilespmem:s29+$0x4610]  }
0x16e: {  	v5 =	vld [tilespmem:s29+$0xB610]  }
0x16f: {  	[tilespmem:s29+$0x125E0] =	vst v0;
	v0 =	vadd.f32 v4, v2;
	v2 =	vld [tilespmem:s29+$0x4620]  }
0x170: {  	v4 =	vld [tilespmem:s29+$0xB620]  }
0x171: {  	[tilespmem:s29+$0x125F0] =	vst v0;
	v0 =	vadd.f32 v6, v1;
	v1 =	vld [tilespmem:s29+$0x4630]  }
0x172: {  	v6 =	vld [tilespmem:s29+$0xB630]  }
0x173: {  	[tilespmem:s29+$0x12600] =	vst v0;
	v0 =	vadd.f32 v5, v3;
	v5 =	vld [tilespmem:s29+$0x4640]  }
0x174: {  	v7 =	vld [tilespmem:s29+$0xB640]  }
.Ltmp1:
0x175: {  	[tilespmem:s29+$0x12610] =	vst v0;
	v0 =	vadd.f32 v4, v2;
	v2 =	vld [tilespmem:s29+$0x4650];
	(pc) =	sbr.rel @p1 .LBB2_5-.Ltmp1, $4  }
0x176: {  	v3 =	vld [tilespmem:s29+$0xB650]  }
0x177: {  	[tilespmem:s29+$0x12620] =	vst v0;
	v6 =	vadd.f32 v6, v1;
	v0 =	vld [tilespmem:s29+$0x4660]  }
0x178: {  	s31 =	sshra.s32 s30, $0x2;
	v4 =	vld [tilespmem:s29+$0xB660]  }
0x179: {  	s30 =	sadd.s32 $0x800, s30;
	v1 =	vld [tilespmem:s31+$0x4670];
	[tilespmem:s29+$0x12630] =	vst v6;
	v5 =	vadd.f32 v7, v5  }
0x17a: {  	v6 =	vld [tilespmem:s31+$0xB670]  }
0x17b: {  	v7 =	vld [tilespmem:s31+$0x4480];
	[tilespmem:s29+$0x12640] =	vst v5;
	v2 =	vadd.f32 v3, v2  }
0x17c: {  	v35 =	vld [tilespmem:s31+$0xB480]  }
0x17d: {  	v5 =	vld [tilespmem:s31+$0x4490];
	[tilespmem:s29+$0x12650] =	vst v2;
	v0 =	vadd.f32 v4, v0  }
0x17e: {  	v2 =	vld [tilespmem:s31+$0xB490]  }
0x17f: {  	v36 =	vld [tilespmem:s31+$0x44A0];
	[tilespmem:s29+$0x12660] =	vst v0  }
0x180: {  	v38 =	vld [tilespmem:s31+$0xB4A0]  }
0x181: {  	v39 =	vld [tilespmem:s31+$0x44B0]  }
0x182: {  	v40 =	vld [tilespmem:s31+$0xB4B0]  }
0x183: {  	v41 =	vld [tilespmem:s31+$0x44C0]  }
0x184: {  	v42 =	vld [tilespmem:s31+$0xB4C0]  }
0x185: {  	v43 =	vld [tilespmem:s31+$0x44D0]  }
0x186: {  	v44 =	vld [tilespmem:s31+$0xB4D0]  }
0x187: {  	v45 =	vld [tilespmem:s31+$0x44E0]  }
0x188: {  	v46 =	vld [tilespmem:s31+$0xB4E0]  }
0x189: {  	v48 =	vld [tilespmem:s31+$0x44F0]  }
0x18a: {  	v49 =	vld [tilespmem:s31+$0xB4F0]  }
0x18b: {  	v51 =	vld [tilespmem:s31+$0x4500]  }
0x18c: {  	v52 =	vld [tilespmem:s31+$0xB500]  }
0x18d: {  	v54 =	vld [tilespmem:s31+$0x4510]  }
0x18e: {  	v55 =	vld [tilespmem:s31+$0xB510]  }
0x18f: {  	v57 =	vld [tilespmem:s31+$0x4520]  }
0x190: {  	v58 =	vld [tilespmem:s31+$0xB520]  }
0x191: {  	v60 =	vld [tilespmem:s31+$0x4530]  }
0x192: {  	v61 =	vld [tilespmem:s31+$0xB530]  }
0x193: {  	v63 =	vld [tilespmem:s31+$0x4540]  }
0x194: {  	v9 =	vld [tilespmem:s31+$0xB540]  }
0x195: {  	v11 =	vld [tilespmem:s31+$0x4550]  }
0x196: {  	v12 =	vld [tilespmem:s31+$0xB550]  }
0x197: {  	v14 =	vld [tilespmem:s31+$0x4560]  }
0x198: {  	v15 =	vld [tilespmem:s31+$0xB560]  }
0x199: {  	v17 =	vld [tilespmem:s31+$0x4570]  }
0x19a: {  	v18 =	vld [tilespmem:s31+$0xB570]  }
0x19b: {  	v20 =	vld [tilespmem:s31+$0x4580]  }
0x19c: {  	v21 =	vld [tilespmem:s31+$0xB580]  }
0x19d: {  	v23 =	vld [tilespmem:s31+$0x4590]  }
0x19e: {  	v37 =	vadd.f32 v6, v1;
	v24 =	vld [tilespmem:s31+$0xB590]  }
0x19f: {  	v26 =	vld [tilespmem:s31+$0x45A0];
	v3 =	vadd.f32 v35, v7  }
0x1a0: {  	v27 =	vld [tilespmem:s31+$0xB5A0];
	[tilespmem:s31+$0x12670] =	vst v37;
	v2 =	vadd.f32 v2, v5  }
0x1a1: {  	v29 =	vld [tilespmem:s31+$0x45B0];
	[tilespmem:s31+$0x12480] =	vst v3;
	v1 =	vadd.f32 v38, v36  }
0x1a2: {  	v30 =	vld [tilespmem:s31+$0xB5B0];
	[tilespmem:s31+$0x12490] =	vst v2;
	v0 =	vadd.f32 v40, v39  }
0x1a3: {  	v32 =	vld [tilespmem:s31+$0x45C0];
	v47 =	vadd.f32 v42, v41;
	[tilespmem:s31+$0x124A0] =	vst v1  }
0x1a4: {  	v33 =	vld [tilespmem:s31+$0xB5C0];
	v50 =	vadd.f32 v44, v43;
	[tilespmem:s31+$0x124B0] =	vst v0  }
0x1a5: {  	v35 =	vld [tilespmem:s31+$0x45D0];
	v53 =	vadd.f32 v46, v45;
	[tilespmem:s31+$0x124C0] =	vst v47  }
0x1a6: {  	v56 =	vadd.f32 v49, v48;
	v36 =	vld [tilespmem:s31+$0xB5D0];
	[tilespmem:s31+$0x124D0] =	vst v50  }
0x1a7: {  	v59 =	vadd.f32 v52, v51;
	v38 =	vld [tilespmem:s31+$0x45E0];
	[tilespmem:s31+$0x124E0] =	vst v53  }
0x1a8: {  	v62 =	vadd.f32 v55, v54;
	v39 =	vld [tilespmem:s31+$0xB5E0];
	[tilespmem:s31+$0x124F0] =	vst v56  }
0x1a9: {  	v10 =	vadd.f32 v58, v57;
	v41 =	vld [tilespmem:s31+$0x45F0];
	[tilespmem:s31+$0x12500] =	vst v59  }
0x1aa: {  	v13 =	vadd.f32 v61, v60;
	v42 =	vld [tilespmem:s31+$0xB5F0];
	[tilespmem:s31+$0x12510] =	vst v62  }
0x1ab: {  	v16 =	vadd.f32 v9, v63;
	v44 =	vld [tilespmem:s31+$0x4600];
	[tilespmem:s31+$0x12520] =	vst v10  }
0x1ac: {  	v19 =	vadd.f32 v12, v11;
	v45 =	vld [tilespmem:s31+$0xB600];
	[tilespmem:s31+$0x12530] =	vst v13  }
0x1ad: {  	v22 =	vadd.f32 v15, v14;
	v48 =	vld [tilespmem:s31+$0xB610];
	[tilespmem:s31+$0x12540] =	vst v16  }
0x1ae: {  	v25 =	vadd.f32 v18, v17;
	v51 =	vld [tilespmem:s31+$0xB620];
	[tilespmem:s31+$0x12550] =	vst v19  }
0x1af: {  	v28 =	vadd.f32 v21, v20;
	v54 =	vld [tilespmem:s31+$0xB630];
	[tilespmem:s31+$0x12560] =	vst v22  }
0x1b0: {  	v31 =	vadd.f32 v24, v23;
	v57 =	vld [tilespmem:s31+$0xB640];
	[tilespmem:s31+$0x12570] =	vst v25  }
0x1b1: {  	v34 =	vadd.f32 v27, v26;
	v60 =	vld [tilespmem:s31+$0xB650];
	[tilespmem:s31+$0x12580] =	vst v28  }
0x1b2: {  	v37 =	vadd.f32 v30, v29;
	v61 =	vld [tilespmem:s31+$0x4660];
	[tilespmem:s31+$0x12590] =	vst v31  }
0x1b3: {  	v40 =	vadd.f32 v33, v32;
	[tilespmem:s31+$0x125A0] =	vst v34;
	v47 =	vld [tilespmem:s31+$0x4610]  }
0x1b4: {  	[tilespmem:s31+$0x125B0] =	vst v37;
	v50 =	vld [tilespmem:s31+$0x4620];
	v43 =	vadd.f32 v36, v35  }
0x1b5: {  	[tilespmem:s31+$0x125C0] =	vst v40;
	v53 =	vld [tilespmem:s31+$0x4630];
	v46 =	vadd.f32 v39, v38  }
0x1b6: {  	v56 =	vld [tilespmem:s31+$0x4640];
	v49 =	vadd.f32 v42, v41;
	[tilespmem:s31+$0x125D0] =	vst v43  }
0x1b7: {  	v59 =	vld [tilespmem:s31+$0x4650];
	v52 =	vadd.f32 v45, v44;
	[tilespmem:s31+$0x125E0] =	vst v46  }
0x1b8: {  	v62 =	vld [tilespmem:s31+$0xB660];
	[tilespmem:s31+$0x125F0] =	vst v49;
	v55 =	vadd.f32 v48, v47  }
0x1b9: {  	[tilespmem:s31+$0x12600] =	vst v52;
	v58 =	vadd.f32 v51, v50  }
0x1ba: {  	v1 =	vadd.f32 v54, v53;
	[tilespmem:s31+$0x12610] =	vst v55  }
0x1bb: {  	v3 =	vadd.f32 v57, v56;
	[tilespmem:s31+$0x12620] =	vst v58  }
0x1bc: {  	v63 =	vadd.f32 v60, v59;
	[tilespmem:s31+$0x12630] =	vst v1  }
0x1bd: {  	v0 =	vadd.f32 v62, v61;
	[tilespmem:s31+$0x12640] =	vst v3  }
0x1be: {  	[tilespmem:s31+$0x12650] =	vst v63  }
0x1bf: {  	s26 =	sadd.s32 @!p0 $0x150, s26;
	s30 =	simm.s32 @!p0 $0x4480;
	s29 =	simm.s32 @!p0 $0x70;
	[tilespmem:s31+$0x12660] =	vst v0  }
0x1c0: {  	[tilespmem:s30], [sflag:$0x2] =	stream.indirect.gather @!p0 [hbm4b:s2+s29], $0x80, s26, s29, $0xb8;
	[tilespmem:$0x15C80] =	vst v63  }
0x1c1: {  	s25 =	sadd.s32 $0x1, s25;
	s30 =	simm.s32 @!p0 $0xB480  }
0x1c2: {  	[tilespmem:s30], [sflag:$0x4] =	stream.indirect.gather @!p0 [hbm4b:s1+s29], $0x80, s26, s29, $0xb8;
	[tilespmem:$0x15C80] =	vst v63  }
0x1c3: {  	p0 =	sne.s32 s25, $0xE  }
.Ltmp2:
0x1c4: {  	_ = 	snop;
	(pc) =	sbr.rel @p0 .LBB2_2-.Ltmp2, $4  }
0x1c5: {  	s31 =	sadd.s32 s28, s8  }
0x1c6: {  	s26 =	sshll.u32 s31, $0x4  }
0x1c7: {  	s26 =	sadd.s32 s4, s26  }
0x1c8: {  	[hbm4b:s26+s5] =	stream.linear.scatter [tilespmem:s21], [sflag:$0x6], $0x3800, $0x38;
	[tilespmem:$0x15C80] =	vst v63  }
0x1c9: {  	s24 =	sadd.s32 $0x1, s24  }
0x1ca: {  	_ =	swait.ge [sflag:s22], $0x3800;
	p0 =	sne.s32 s24, s9  }
.Ltmp3:
0x1cb: {  	[sflag:s22] =	ssyncset.done $0x0;
	(pc) =	sbr.rel @p0 .LBB2_1-.Ltmp3, $4  }
0x1cc: {  	[sflag:s22] =	ssyncadd.s32 $0xFFFFC800  }
0x1cd: {  	_ =	swait.ge [sflag:s23], $0x3800  }
0x1ce: {  	[sflag:s23] =	ssyncset.done $0x0  }
0x1cf: {  	[sflag:s23] =	ssyncadd.s32 $0xFFFFC800  }
0x1d0: {  	_ =	sfence.sel $0x180000  }
0x1d1: {  	[bflag:$0x0] =	sbarrier.arrive $0xFFFF  }
0x1d2: {  	p0 =	sne.s32 s0, $0x0;
	_ =	strace $0x90000047  }
0x1d3: {  	s0 =	sadd.s32 @!p0 $0x100000, s3;
	[bflag:$0x2] =	sbarrier.arrive $0xFFFF  }
0x1d4: {  	[sflag:s0] =	ssyncadd.tile.s32 @!p0 $0x1;
	_ =	shalt  }
.Lfunc_end2:
_tile_overlayer_lowered:
.L_overlay_start_2:
0x1d5: {  	(tag) =	ssettag $0x2  }
0x1d6: {  	s0 =	rddreg [dreg:$0x0];
	s2 =	stileid.u32  }
0x1d7: {  	s1 =	rddreg [dreg:$0x1];
	p0 =	sne.s32 s2, $0x0  }
0x1d8: {  	s3 =	rddreg [dreg:$0x2];
	[bflag:$0x3] =	sbarrier.arrive $0xFFFF;
	s2 =	simm.s32 @!p0 $0x1C07  }
0x1d9: {  	[timem:s3], [sflag:s2] =	dma.local @!p0 [hbm:s0], s1  }
0x1da: {  	s0 =	simm.s32 @!p0 $0x7  }
0x1db: {  	_ =	swait.ge @!p0 [sflag:s0], s1  }
0x1dc: {  	s1 =	ssub.s32 @!p0 $0x0, s1;
	[sflag:s0] =	ssyncset.done @!p0 $0x0  }
0x1dd: {  	[sflag:s0] =	ssyncadd.s32 @!p0 s1  }
0x1de: {  	[bflag:$0x3] =	sbarrier.arrive $0xFFFF  }
0x1df: {  	_ =	shalt  }

</sc_bundles>
